<compile_context>
chip_gen: v7x
topology: tpu7x:2x2x1
jax: 0.10.2.dev20260603
libtpu: 0.0.44.dev20260713+nightly
codegen_flags: <defaults>
</compile_context>

<pallas_src>
import functools

import jax
import jax.numpy as jnp
from jax import lax
from jax.experimental import pallas as pl
from jax.experimental.pallas import tpu as pltpu
from jax.experimental.pallas import tpu_sc as plsc

B = 4
N = 2048
W = 32
NBINS = W ** 3
L = 16
NSL = 8
SLB = NBINS // NSL
NPT = N // L
GSL = NPT // NSL
SGB = SLB // L

_mesh = plsc.VectorSubcoreMesh(core_axis_name="c", subcore_axis_name="s")


def _bf16_rne(x):
    u = lax.bitcast_convert_type(x, jnp.int32)
    lsb = jnp.bitwise_and(lax.shift_right_logical(u, 16), 1)
    r = jnp.bitwise_and(u + 0x7FFF + lsb, jnp.int32(-65536))
    return lax.bitcast_convert_type(r, jnp.float32)


def _cell(bx):
    t = (bx + 1.0) * 16.0
    q = t.astype(jnp.int32)
    q = jnp.minimum(jnp.maximum(q, 0), 31)
    lo = q.astype(jnp.float32) * 0.0625 - 1.0
    hi = (q + 1).astype(jnp.float32) * 0.0625 - 1.0
    q = (q - jnp.where(bx <= lo, 1, 0)) + jnp.where(bx > hi, 1, 0)
    q = jnp.minimum(jnp.maximum(q, 0), 31)
    hi2 = (q + 1).astype(jnp.float32) * 0.0625 - 1.0
    tie = jnp.logical_and(bx == hi2, q < 31)
    return q, tie


@functools.partial(
    pl.kernel,
    out_type=(
        jax.ShapeDtypeStruct((B, N), jnp.int32),
        jax.ShapeDtypeStruct((B, NBINS), jnp.float32),
    ),
    mesh=_mesh,
    compiler_params=pltpu.CompilerParams(needs_layout_passes=False),
    scratch_types=[
        pltpu.VMEM((3 * N,), jnp.float32),
        pltpu.VMEM((N,), jnp.int32),
        pltpu.VMEM((4, SLB), jnp.int32),
        pltpu.VMEM((SLB,), jnp.int32),
        pltpu.VMEM((SLB,), jnp.int32),
        pltpu.VMEM((SLB,), jnp.float32),
        pltpu.VMEM((N,), jnp.int32),
        pltpu.VMEM((4, SGB), jnp.int32),
        pltpu.VMEM((SLB,), jnp.int32),
        pltpu.VMEM((L,), jnp.int32),
        pltpu.VMEM((NSL, L), jnp.int32),
        pltpu.VMEM((NSL, N), jnp.int32),
        pltpu.VMEM_SHARED((2, N), jnp.int32),
        pltpu.VMEM_SHARED((2, NSL, L), jnp.int32),
        pltpu.VMEM_SHARED((2, NSL, N), jnp.int32),
    ],
)
def _sc_quantize(x_hbm, idx_out, vox_out, coords_v, idx_v, hist4_v, cnt_v,
                 excl_v, vox_v, starts_v, hist4g_v, gexp_v, totpub_v, tot_v,
                 merge_v, idx_sh, tot_sh, starts_sh):
    cid = lax.axis_index("c")
    sid = lax.axis_index("s")
    lb = sid // NSL
    sl = sid % NSL
    b = cid * 2 + lb
    lo = sl * SLB

    pltpu.sync_copy(x_hbm.at[b], coords_v)

    def quant(g, carry):
        i = sl * GSL + g
        x0 = coords_v[pl.ds(i * L, L)]
        x1 = coords_v[pl.ds(N + i * L, L)]
        x2 = coords_v[pl.ds(2 * N + i * L, L)]
        b0 = _bf16_rne(x0)
        b1 = _bf16_rne(x1)
        b2 = _bf16_rne(x2)
        q0, t0 = _cell(b0)
        q1, t1 = _cell(b1)
        q2, t2 = _cell(b2)
        s1 = (x0 * x0 + x1 * x1) + x2 * x2
        best_d = None
        best_i = None
        for sel in range(8):
            qx = q0 + jnp.where(t0, 1, 0) if sel & 4 else q0
            qy = q1 + jnp.where(t1, 1, 0) if sel & 2 else q1
            qz = q2 + jnp.where(t2, 1, 0) if sel & 1 else q2
            cx = (qx.astype(jnp.float32) + 0.5) * 0.0625 - 1.0
            cy = (qy.astype(jnp.float32) + 0.5) * 0.0625 - 1.0
            cz = (qz.astype(jnp.float32) + 0.5) * 0.0625 - 1.0
            s2 = (cx * cx + cy * cy) + cz * cz
            m = (b0 * cx + b1 * cy) + b2 * cz
            d = (s1 + s2) - 2.0 * m
            ii = (qx * 1024 + qy * 32) + qz
            if best_d is None:
                best_d, best_i = d, ii
            else:
                better = jnp.logical_or(
                    d < best_d, jnp.logical_and(d == best_d, ii < best_i))
                best_d = jnp.where(better, d, best_d)
                best_i = jnp.where(better, ii, best_i)
        idx_v[pl.ds(i * L, L)] = best_i
        return carry

    lax.fori_loop(0, GSL, quant, 0)

    pltpu.sync_copy(idx_v.at[pl.ds(sl * GSL * L, GSL * L)],
                    idx_sh.at[lb, pl.ds(sl * GSL * L, GSL * L)])
    plsc.subcore_barrier()
    pltpu.sync_copy(idx_sh.at[lb], idx_v)

    def memset_hist(i, carry):
        hist4_v[0, pl.ds(i * L, L)] = jnp.zeros((L,), jnp.int32)
        hist4_v[1, pl.ds(i * L, L)] = jnp.zeros((L,), jnp.int32)
        hist4_v[2, pl.ds(i * L, L)] = jnp.zeros((L,), jnp.int32)
        hist4_v[3, pl.ds(i * L, L)] = jnp.zeros((L,), jnp.int32)
        return carry

    lax.fori_loop(0, SGB, memset_hist, 0)

    def memset_histg(i, carry):
        hist4g_v[0, pl.ds(i * L, L)] = jnp.zeros((L,), jnp.int32)
        hist4g_v[1, pl.ds(i * L, L)] = jnp.zeros((L,), jnp.int32)
        hist4g_v[2, pl.ds(i * L, L)] = jnp.zeros((L,), jnp.int32)
        hist4g_v[3, pl.ds(i * L, L)] = jnp.zeros((L,), jnp.int32)
        return carry

    lax.fori_loop(0, SGB // L, memset_histg, 0)

    def memset_sorted(i, carry):
        starts_v[pl.ds(i * L, L)] = jnp.zeros((L,), jnp.int32)
        return carry

    lax.fori_loop(0, NPT, memset_sorted, 0)

    def hist(i, carry):
        iota = lax.iota(jnp.int32, L)
        ones = jnp.full((L,), 1, jnp.int32)
        k = idx_v[pl.ds(i * L, L)]
        kl = jnp.minimum(jnp.maximum(k - lo, 0), SLB - 1)
        inr = jnp.logical_and(k >= lo, k < lo + SLB)
        kg = lax.shift_right_logical(kl, 4)
        for r in range(4):
            lane = jnp.logical_and(iota >= 4 * r, iota < 4 * r + 4)
            msk = jnp.logical_and(inr, lane)
            row = jnp.minimum(jnp.maximum(iota - 4 * r, 0), 3)
            plsc.addupdate_scatter(hist4_v, [row, kl], ones, mask=msk)
            plsc.addupdate_scatter(hist4g_v, [row, kg], ones, mask=msk)
        return carry

    lax.fori_loop(0, NPT, hist, 0)

    def gprefix(j, carry):
        iota = lax.iota(jnp.int32, L)
        g16 = ((hist4g_v[0, pl.ds(j * L, L)] + hist4g_v[1, pl.ds(j * L, L)])
               + (hist4g_v[2, pl.ds(j * L, L)] + hist4g_v[3, pl.ds(j * L, L)]))
        incl = plsc.cumsum(g16) + carry
        gex = incl - g16
        base = (j * L + iota) * L
        for c in range(L):
            plsc.store_scatter(gexp_v, [base + c], gex)
        return jnp.max(incl)

    total = lax.fori_loop(0, SGB // L, gprefix, jnp.int32(0))

    def fold(i, carry):
        c16 = ((hist4_v[0, pl.ds(i * L, L)] + hist4_v[1, pl.ds(i * L, L)])
               + (hist4_v[2, pl.ds(i * L, L)] + hist4_v[3, pl.ds(i * L, L)]))
        cnt_v[pl.ds(i * L, L)] = c16
        vox_v[pl.ds(i * L, L)] = jnp.where(c16 > 0, jnp.float32(0.8),
                                           jnp.float32(-0.8))
        incl = plsc.cumsum(c16)
        excl_v[pl.ds(i * L, L)] = incl - c16
        return carry

    lax.fori_loop(0, SGB, fold, jnp.int32(0))

    pltpu.sync_copy(vox_v, vox_out.at[b, pl.ds(lo, SLB)])

    totpub_v[pl.ds(0, L)] = jnp.zeros((L,), jnp.int32) + total
    pltpu.sync_copy(totpub_v, tot_sh.at[lb, sl])
    plsc.subcore_barrier()
    pltpu.sync_copy(tot_sh.at[lb], tot_v)
    offs = jnp.zeros((L,), jnp.int32)
    for j in range(NSL):
        w = jnp.where(j < sl, 1, 0)
        offs = offs + tot_v[j, pl.ds(0, L)] * w

    def scat(i, carry):
        iota = lax.iota(jnp.int32, L)
        c16 = cnt_v[pl.ds(i * L, L)]
        occ = c16 > 0
        pos = (excl_v[pl.ds(i * L, L)] + gexp_v[pl.ds(i * L, L)]) + offs
        pos = jnp.minimum(jnp.maximum(pos, 0), N - 1)
        val = (lo + i * L) + iota
        plsc.store_scatter(starts_v, [pos], val, mask=occ)
        return carry

    lax.fori_loop(0, SGB, scat, 0)

    pltpu.sync_copy(starts_v, starts_sh.at[lb, sl])
    plsc.subcore_barrier()

    @pl.when(sl == 0)
    def _():
        pltpu.sync_copy(starts_sh.at[lb], merge_v)

        def pmax(i, carry):
            m = merge_v[0, pl.ds(i * L, L)]
            for j in range(1, NSL):
                m = jnp.maximum(m, merge_v[j, pl.ds(i * L, L)])
            inc = jnp.maximum(plsc.cummax(m), carry)
            starts_v[pl.ds(i * L, L)] = inc
            return jnp.max(inc)

        lax.fori_loop(0, NPT, pmax, jnp.int32(0))
        pltpu.sync_copy(starts_v, idx_out.at[b])


def kernel(x, grid_points):
    del grid_points
    xt = jnp.transpose(x, (0, 2, 1)).reshape(B, 3 * N)
    idx_sorted, vox = _sc_quantize(xt)
    voxel = vox.reshape(B, 1, W, W, W)
    return idx_sorted, voxel

# --- scband reference (transcript-rebuilt; emitter-appended) ---
"""Pipeline reference for scband-point-quantizer-33646773796930 (READ-ONLY COPY).

The authoritative reference and input builder live on the scoring server;
editing this copy changes nothing except your own understanding.
"""

import jax, jax.numpy as jnp
import numpy as np

W = 32

def _make_grid_points():
    idx = jnp.arange(W)
    g = jnp.stack(jnp.meshgrid(idx, idx, idx, indexing='ij'), axis=0).astype(jnp.float32)  # [3, W, W, W]
    pts = ((g + 0.5) * 2.0 / W - 1.0).reshape(3, -1).T  # [W^3, 3], voxel centers in (-1, 1)
    return pts

def setup_inputs(seed: int = 0) -> dict:
    key = jax.random.key(seed)
    x = jax.random.normal(key, (4, 2048, 3), dtype=jnp.float32)
    grid_points = _make_grid_points()
    return {"x": x, "grid_points": grid_points}

def reference(x, grid_points):
    B, N = x.shape[0], x.shape[1]
    flat_x = x.reshape(B * N, 3)
    distances = (jnp.sum(flat_x ** 2, axis=1, keepdims=True)
                 + jnp.sum(grid_points ** 2, axis=1)
                 - 2.0 * jnp.matmul(flat_x, grid_points.T))
    encoding_indices = jnp.argmin(distances, axis=1)
    encoding_indices = jnp.sort(encoding_indices.reshape(B, N), axis=1)
    voxel = jnp.zeros((B, W ** 3), dtype=jnp.float32)
    voxel = voxel.at[jnp.arange(B)[:, None], encoding_indices].set(1.0)
    voxel = voxel.reshape(B, 1, W, W, W)
    voxel = (voxel - 0.5) / 0.5 * 0.8
    return encoding_indices, voxel

if __name__ == "__main__":
    import jax
    _d = setup_inputs()
    print(jax.jit(kernel)(*tuple(_d.values())))

</pallas_src>

<mosaic_0001>
#map = affine_map<(d0, d1) -> (0, 0)>
module attributes {stable_mosaic.version = 14 : i64} {
  func.func @_sc_quantize(%arg0: i32, %arg1: i32, %arg2: memref<4x6144xf32, #tpu.memory_space<hbm>>, %arg3: memref<4x2048xi32, #tpu.memory_space<hbm>>, %arg4: memref<4x32768xf32, #tpu.memory_space<hbm>>, %arg5: memref<6144xf32, #tpu.memory_space<vmem>>, %arg6: memref<2048xi32, #tpu.memory_space<vmem>>, %arg7: memref<4x4096xi32, #tpu.memory_space<vmem>>, %arg8: memref<4096xi32, #tpu.memory_space<vmem>>, %arg9: memref<4096xi32, #tpu.memory_space<vmem>>, %arg10: memref<4096xf32, #tpu.memory_space<vmem>>, %arg11: memref<2048xi32, #tpu.memory_space<vmem>>, %arg12: memref<4x256xi32, #tpu.memory_space<vmem>>, %arg13: memref<4096xi32, #tpu.memory_space<vmem>>, %arg14: memref<16xi32, #tpu.memory_space<vmem>>, %arg15: memref<8x16xi32, #tpu.memory_space<vmem>>, %arg16: memref<8x2048xi32, #tpu.memory_space<vmem>>, %arg17: memref<2x2048xi32, #tpu.memory_space<vmem_shared>>, %arg18: memref<2x8x16xi32, #tpu.memory_space<vmem_shared>>, %arg19: memref<2x8x2048xi32, #tpu.memory_space<vmem_shared>>) attributes {dimension_semantics = [#tpu.dimension_semantics<core_parallel>, #tpu.dimension_semantics<subcore_parallel>], iteration_bounds = array<i64: 2, 16>, scalar_prefetch = 0 : i64, scratch_operands = 15 : i64, tpu.core_type = #tpu.core_type<sc_vector_subcore>, window_params = [{transform_indices = #map}, {transform_indices = #map}, {transform_indices = #map}]} {
    %jit3A = arith.constant 8 : i32
    %div3A = arith.divsi %arg1, %jit3A : i32
    %sign3A = arith.constant 0 : i32
    %sign3A_0 = arith.cmpi sgt, %arg1, %sign3A : i32
    %sign3A_1 = arith.extui %sign3A_0 : i1 to i32
    %sign3A_2 = arith.constant 0 : i32
    %sign3A_3 = arith.cmpi slt, %arg1, %sign3A_2 : i32
    %sign3A_4 = arith.extui %sign3A_3 : i1 to i32
    %sign3A_5 = arith.subi %sign3A_1, %sign3A_4 : i32
    %sign3A_6 = arith.constant 0 : i32
    %sign3A_7 = arith.cmpi sgt, %jit3A, %sign3A_6 : i32
    %sign3A_8 = arith.extui %sign3A_7 : i1 to i32
    %sign3A_9 = arith.constant 0 : i32
    %sign3A_10 = arith.cmpi slt, %jit3A, %sign3A_9 : i32
    %sign3A_11 = arith.extui %sign3A_10 : i1 to i32
    %sign3A_12 = arith.subi %sign3A_8, %sign3A_11 : i32
    %ne3A = arith.cmpi ne, %sign3A_5, %sign3A_12 : i32
    %rem3A = arith.remsi %arg1, %jit3A : i32
    %ne3A_13 = arith.constant 0 : i32
    %ne3A_14 = arith.cmpi ne, %rem3A, %ne3A_13 : i32
    %and3A = arith.andi %ne3A, %ne3A_14 : i1
    %sub3A = arith.constant 1 : i32
    %sub3A_15 = arith.subi %div3A, %sub3A : i32
    %select_n3A = arith.select %and3A, %sub3A_15, %div3A : i32
    %jit3A_16 = arith.constant 8 : i32
    %eq3A = arith.constant 0 : i32
    %eq3A_17 = arith.cmpi eq, %jit3A_16, %eq3A : i32
    %jit3A_18 = arith.constant 1 : i32
    %select_n3A_19 = arith.select %eq3A_17, %jit3A_18, %jit3A_16 : i32
    %rem3A_20 = arith.remsi %arg1, %select_n3A_19 : i32
    %ne3A_21 = arith.constant 0 : i32
    %ne3A_22 = arith.cmpi ne, %rem3A_20, %ne3A_21 : i32
    %lt3A = arith.constant 0 : i32
    %lt3A_23 = arith.cmpi slt, %rem3A_20, %lt3A : i32
    %lt3A_24 = arith.constant 0 : i32
    %lt3A_25 = arith.cmpi slt, %select_n3A_19, %lt3A_24 : i32
    %ne3A_26 = arith.xori %lt3A_23, %lt3A_25 : i1
    %and3A_27 = arith.andi %ne3A_26, %ne3A_22 : i1
    %add3A = arith.addi %rem3A_20, %select_n3A_19 : i32
    %select_n3A_28 = arith.select %and3A_27, %add3A, %rem3A_20 : i32
    %mul3A = arith.constant 2 : i32
    %mul3A_29 = arith.muli %arg0, %mul3A : i32
    %add3A_30 = arith.addi %mul3A_29, %select_n3A : i32
    %mul3A_31 = arith.constant 4096 : i32
    %mul3A_32 = arith.muli %select_n3A_28, %mul3A_31 : i32
    "tpu.region"() ({
      %run_scoped3A = tpu.sem_alloc : memref<!tpu.dma_semaphore, #tpu.memory_space<semaphore_mem>>
      %dma_start3A = arith.constant 0 : i32
      %dma_start3A_194 = tpu.memref_slice %arg2[%add3A_30, %dma_start3A] : memref<4x6144xf32, #tpu.memory_space<hbm>> -> memref<1x6144xf32, #tpu.memory_space<hbm>>
      %dma_start3A_195 = tpu.memref_squeeze %dma_start3A_194 : memref<1x6144xf32, #tpu.memory_space<hbm>> -> memref<6144xf32, #tpu.memory_space<hbm>>
      %dma_start3A_196 = arith.constant 0 : i32
      %dma_start3A_197 = tpu.memref_slice %arg2[%add3A_30, %dma_start3A_196] : memref<4x6144xf32, #tpu.memory_space<hbm>> -> memref<1x6144xf32, #tpu.memory_space<hbm>>
      %dma_start3A_198 = tpu.memref_squeeze %dma_start3A_197 : memref<1x6144xf32, #tpu.memory_space<hbm>> -> memref<6144xf32, #tpu.memory_space<hbm>>
      tpu.enqueue_dma source(%dma_start3A_198 : memref<6144xf32, #tpu.memory_space<hbm>>) target(%arg5 : memref<6144xf32, #tpu.memory_space<vmem>>) target_semaphore(%run_scoped3A : memref<!tpu.dma_semaphore, #tpu.memory_space<semaphore_mem>>)
      %dma_wait3A = arith.constant 0 : i32
      %dma_wait3A_199 = tpu.memref_slice %arg2[%add3A_30, %dma_wait3A] : memref<4x6144xf32, #tpu.memory_space<hbm>> -> memref<1x6144xf32, #tpu.memory_space<hbm>>
      %dma_wait3A_200 = tpu.memref_squeeze %dma_wait3A_199 : memref<1x6144xf32, #tpu.memory_space<hbm>> -> memref<6144xf32, #tpu.memory_space<hbm>>
      %dma_wait3A_201 = arith.constant 0 : i32
      %dma_wait3A_202 = tpu.memref_slice %arg2[%add3A_30, %dma_wait3A_201] : memref<4x6144xf32, #tpu.memory_space<hbm>> -> memref<1x6144xf32, #tpu.memory_space<hbm>>
      %dma_wait3A_203 = tpu.memref_squeeze %dma_wait3A_202 : memref<1x6144xf32, #tpu.memory_space<hbm>> -> memref<6144xf32, #tpu.memory_space<hbm>>
      tpu.wait_dma2 semaphore(%run_scoped3A : memref<!tpu.dma_semaphore, #tpu.memory_space<semaphore_mem>>) src(%dma_wait3A_203 : memref<6144xf32, #tpu.memory_space<hbm>>) dst(%arg5 : memref<6144xf32, #tpu.memory_space<vmem>>)
      tpu.yield
    }) : () -> ()
    %scan3A = arith.constant 0 : i32
    %scan3A_33 = arith.constant 0 : i32
    %scan3A_34 = arith.constant 16 : i32
    %scan3A_35 = arith.addi %scan3A_33, %scan3A_34 : i32
    %scan3A_36 = arith.constant 1 : i32
    scf.for %scan3A_194 = %scan3A_33 to %scan3A_35 step %scan3A_36  : i32 {
      %mul3A_195 = arith.constant 16 : i32
      %mul3A_196 = arith.muli %select_n3A_28, %mul3A_195 : i32
      %add3A_197 = arith.addi %mul3A_196, %scan3A_194 : i32
      %mul3A_198 = arith.constant 16 : i32
      %mul3A_199 = arith.muli %add3A_197, %mul3A_198 : i32
      %get3A_200 = arith.index_cast %mul3A_199 : i32 to index
      %get3A_201 = tpu.vector_load %arg5[%get3A_200] {strides = array<i32>} : memref<6144xf32, #tpu.memory_space<vmem>>, vector<16xf32>,
      %mul3A_202 = arith.constant 16 : i32
      %mul3A_203 = arith.muli %add3A_197, %mul3A_202 : i32
      %add3A_204 = arith.constant 2048 : i32
      %add3A_205 = arith.addi %add3A_204, %mul3A_203 : i32
      %get3A_206 = arith.index_cast %add3A_205 : i32 to index
      %get3A_207 = tpu.vector_load %arg5[%get3A_206] {strides = array<i32>} : memref<6144xf32, #tpu.memory_space<vmem>>, vector<16xf32>,
      %mul3A_208 = arith.constant 16 : i32
      %mul3A_209 = arith.muli %add3A_197, %mul3A_208 : i32
      %add3A_210 = arith.constant 4096 : i32
      %add3A_211 = arith.addi %add3A_210, %mul3A_209 : i32
      %get3A_212 = arith.index_cast %add3A_211 : i32 to index
      %get3A_213 = tpu.vector_load %arg5[%get3A_212] {strides = array<i32>} : memref<6144xf32, #tpu.memory_space<vmem>>, vector<16xf32>,
      %bitcast_convert_type3A = tpu.bitcast %get3A_201 : vector<16xf32> -> vector<16xi32>
      %shift_right_logical3A = arith.constant 16 : i32
      %shift_right_logical3A_214 = vector.broadcast %shift_right_logical3A : i32 to vector<16xi32>
      %shift_right_logical3A_215 = arith.shrui %bitcast_convert_type3A, %shift_right_logical3A_214 : vector<16xi32>
      %and3A_216 = arith.constant 1 : i32
      %and3A_217 = vector.broadcast %and3A_216 : i32 to vector<16xi32>
      %and3A_218 = arith.andi %shift_right_logical3A_215, %and3A_217 : vector<16xi32>
      %add3A_219 = arith.constant 32767 : i32
      %add3A_220 = vector.broadcast %add3A_219 : i32 to vector<16xi32>
      %add3A_221 = arith.addi %bitcast_convert_type3A, %add3A_220 : vector<16xi32>
      %add3A_222 = arith.addi %add3A_221, %and3A_218 : vector<16xi32>
      %and3A_223 = arith.constant -65536 : i32
      %and3A_224 = vector.broadcast %and3A_223 : i32 to vector<16xi32>
      %and3A_225 = arith.andi %add3A_222, %and3A_224 : vector<16xi32>
      %bitcast_convert_type3A_226 = tpu.bitcast %and3A_225 : vector<16xi32> -> vector<16xf32>
      %bitcast_convert_type3A_227 = tpu.bitcast %get3A_207 : vector<16xf32> -> vector<16xi32>
      %shift_right_logical3A_228 = arith.constant 16 : i32
      %shift_right_logical3A_229 = vector.broadcast %shift_right_logical3A_228 : i32 to vector<16xi32>
      %shift_right_logical3A_230 = arith.shrui %bitcast_convert_type3A_227, %shift_right_logical3A_229 : vector<16xi32>
      %and3A_231 = arith.constant 1 : i32
      %and3A_232 = vector.broadcast %and3A_231 : i32 to vector<16xi32>
      %and3A_233 = arith.andi %shift_right_logical3A_230, %and3A_232 : vector<16xi32>
      %add3A_234 = arith.constant 32767 : i32
      %add3A_235 = vector.broadcast %add3A_234 : i32 to vector<16xi32>
      %add3A_236 = arith.addi %bitcast_convert_type3A_227, %add3A_235 : vector<16xi32>
      %add3A_237 = arith.addi %add3A_236, %and3A_233 : vector<16xi32>
      %and3A_238 = arith.constant -65536 : i32
      %and3A_239 = vector.broadcast %and3A_238 : i32 to vector<16xi32>
      %and3A_240 = arith.andi %add3A_237, %and3A_239 : vector<16xi32>
      %bitcast_convert_type3A_241 = tpu.bitcast %and3A_240 : vector<16xi32> -> vector<16xf32>
      %bitcast_convert_type3A_242 = tpu.bitcast %get3A_213 : vector<16xf32> -> vector<16xi32>
      %shift_right_logical3A_243 = arith.constant 16 : i32
      %shift_right_logical3A_244 = vector.broadcast %shift_right_logical3A_243 : i32 to vector<16xi32>
      %shift_right_logical3A_245 = arith.shrui %bitcast_convert_type3A_242, %shift_right_logical3A_244 : vector<16xi32>
      %and3A_246 = arith.constant 1 : i32
      %and3A_247 = vector.broadcast %and3A_246 : i32 to vector<16xi32>
      %and3A_248 = arith.andi %shift_right_logical3A_245, %and3A_247 : vector<16xi32>
      %add3A_249 = arith.constant 32767 : i32
      %add3A_250 = vector.broadcast %add3A_249 : i32 to vector<16xi32>
      %add3A_251 = arith.addi %bitcast_convert_type3A_242, %add3A_250 : vector<16xi32>
      %add3A_252 = arith.addi %add3A_251, %and3A_248 : vector<16xi32>
      %and3A_253 = arith.constant -65536 : i32
      %and3A_254 = vector.broadcast %and3A_253 : i32 to vector<16xi32>
      %and3A_255 = arith.andi %add3A_252, %and3A_254 : vector<16xi32>
      %bitcast_convert_type3A_256 = tpu.bitcast %and3A_255 : vector<16xi32> -> vector<16xf32>
      %add3A_257 = arith.constant 1.000000e+00 : f32
      %add3A_258 = vector.broadcast %add3A_257 : f32 to vector<16xf32>
      %add3A_259 = arith.addf %bitcast_convert_type3A_226, %add3A_258 : vector<16xf32>
      %mul3A_260 = arith.constant 1.600000e+01 : f32
      %mul3A_261 = vector.broadcast %mul3A_260 : f32 to vector<16xf32>
      %mul3A_262 = arith.mulf %add3A_259, %mul3A_261 : vector<16xf32>
      %convert_element_type3A_263 = arith.fptosi %mul3A_262 : vector<16xf32> to vector<16xi32>
      %max3A = arith.constant 0 : i32
      %max3A_264 = vector.broadcast %max3A : i32 to vector<16xi32>
      %max3A_265 = arith.maxsi %convert_element_type3A_263, %max3A_264 : vector<16xi32>
      %min3A = arith.constant 31 : i32
      %min3A_266 = vector.broadcast %min3A : i32 to vector<16xi32>
      %min3A_267 = arith.minsi %max3A_265, %min3A_266 : vector<16xi32>
      %convert_element_type3A_268 = arith.sitofp %min3A_267 : vector<16xi32> to vector<16xf32>
      %mul3A_269 = arith.constant 6.250000e-02 : f32
      %mul3A_270 = vector.broadcast %mul3A_269 : f32 to vector<16xf32>
      %mul3A_271 = arith.mulf %convert_element_type3A_268, %mul3A_270 : vector<16xf32>
      %sub3A_272 = arith.constant 1.000000e+00 : f32
      %sub3A_273 = vector.broadcast %sub3A_272 : f32 to vector<16xf32>
      %sub3A_274 = arith.subf %mul3A_271, %sub3A_273 : vector<16xf32>
      %add3A_275 = arith.constant 1 : i32
      %add3A_276 = vector.broadcast %add3A_275 : i32 to vector<16xi32>
      %add3A_277 = arith.addi %min3A_267, %add3A_276 : vector<16xi32>
      %convert_element_type3A_278 = arith.sitofp %add3A_277 : vector<16xi32> to vector<16xf32>
      %mul3A_279 = arith.constant 6.250000e-02 : f32
      %mul3A_280 = vector.broadcast %mul3A_279 : f32 to vector<16xf32>
      %mul3A_281 = arith.mulf %convert_element_type3A_278, %mul3A_280 : vector<16xf32>
      %sub3A_282 = arith.constant 1.000000e+00 : f32
      %sub3A_283 = vector.broadcast %sub3A_282 : f32 to vector<16xf32>
      %sub3A_284 = arith.subf %mul3A_281, %sub3A_283 : vector<16xf32>
      %le3A = arith.cmpf ole, %bitcast_convert_type3A_226, %sub3A_274 : vector<16xf32>
      %jit3A_285 = arith.constant 1 : i32
      %jit3A_286 = arith.constant 0 : i32
      %broadcast_in_dim3A_287 = vector.broadcast %jit3A_285 : i32 to vector<16xi32>
      %broadcast_in_dim3A_288 = vector.broadcast %jit3A_286 : i32 to vector<16xi32>
      %select_n3A_289 = arith.select %le3A, %broadcast_in_dim3A_287, %broadcast_in_dim3A_288 : vector<16xi1>, vector<16xi32>
      %sub3A_290 = arith.subi %min3A_267, %select_n3A_289 : vector<16xi32>
      %gt3A_291 = arith.cmpf ogt, %bitcast_convert_type3A_226, %sub3A_284 : vector<16xf32>
      %jit3A_292 = arith.constant 1 : i32
      %jit3A_293 = arith.constant 0 : i32
      %broadcast_in_dim3A_294 = vector.broadcast %jit3A_292 : i32 to vector<16xi32>
      %broadcast_in_dim3A_295 = vector.broadcast %jit3A_293 : i32 to vector<16xi32>
      %select_n3A_296 = arith.select %gt3A_291, %broadcast_in_dim3A_294, %broadcast_in_dim3A_295 : vector<16xi1>, vector<16xi32>
      %add3A_297 = arith.addi %sub3A_290, %select_n3A_296 : vector<16xi32>
      %max3A_298 = arith.constant 0 : i32
      %max3A_299 = vector.broadcast %max3A_298 : i32 to vector<16xi32>
      %max3A_300 = arith.maxsi %add3A_297, %max3A_299 : vector<16xi32>
      %min3A_301 = arith.constant 31 : i32
      %min3A_302 = vector.broadcast %min3A_301 : i32 to vector<16xi32>
      %min3A_303 = arith.minsi %max3A_300, %min3A_302 : vector<16xi32>
      %add3A_304 = arith.constant 1 : i32
      %add3A_305 = vector.broadcast %add3A_304 : i32 to vector<16xi32>
      %add3A_306 = arith.addi %min3A_303, %add3A_305 : vector<16xi32>
      %convert_element_type3A_307 = arith.sitofp %add3A_306 : vector<16xi32> to vector<16xf32>
      %mul3A_308 = arith.constant 6.250000e-02 : f32
      %mul3A_309 = vector.broadcast %mul3A_308 : f32 to vector<16xf32>
      %mul3A_310 = arith.mulf %convert_element_type3A_307, %mul3A_309 : vector<16xf32>
      %sub3A_311 = arith.constant 1.000000e+00 : f32
      %sub3A_312 = vector.broadcast %sub3A_311 : f32 to vector<16xf32>
      %sub3A_313 = arith.subf %mul3A_310, %sub3A_312 : vector<16xf32>
      %eq3A_314 = arith.cmpf oeq, %bitcast_convert_type3A_226, %sub3A_313 : vector<16xf32>
      %lt3A_315 = arith.constant 31 : i32
      %lt3A_316 = vector.broadcast %lt3A_315 : i32 to vector<16xi32>
      %lt3A_317 = arith.cmpi slt, %min3A_303, %lt3A_316 : vector<16xi32>
      %and3A_318 = arith.andi %eq3A_314, %lt3A_317 : vector<16xi1>
      %add3A_319 = arith.constant 1.000000e+00 : f32
      %add3A_320 = vector.broadcast %add3A_319 : f32 to vector<16xf32>
      %add3A_321 = arith.addf %bitcast_convert_type3A_241, %add3A_320 : vector<16xf32>
      %mul3A_322 = arith.constant 1.600000e+01 : f32
      %mul3A_323 = vector.broadcast %mul3A_322 : f32 to vector<16xf32>
      %mul3A_324 = arith.mulf %add3A_321, %mul3A_323 : vector<16xf32>
      %convert_element_type3A_325 = arith.fptosi %mul3A_324 : vector<16xf32> to vector<16xi32>
      %max3A_326 = arith.constant 0 : i32
      %max3A_327 = vector.broadcast %max3A_326 : i32 to vector<16xi32>
      %max3A_328 = arith.maxsi %convert_element_type3A_325, %max3A_327 : vector<16xi32>
      %min3A_329 = arith.constant 31 : i32
      %min3A_330 = vector.broadcast %min3A_329 : i32 to vector<16xi32>
      %min3A_331 = arith.minsi %max3A_328, %min3A_330 : vector<16xi32>
      %convert_element_type3A_332 = arith.sitofp %min3A_331 : vector<16xi32> to vector<16xf32>
      %mul3A_333 = arith.constant 6.250000e-02 : f32
      %mul3A_334 = vector.broadcast %mul3A_333 : f32 to vector<16xf32>
      %mul3A_335 = arith.mulf %convert_element_type3A_332, %mul3A_334 : vector<16xf32>
      %sub3A_336 = arith.constant 1.000000e+00 : f32
      %sub3A_337 = vector.broadcast %sub3A_336 : f32 to vector<16xf32>
      %sub3A_338 = arith.subf %mul3A_335, %sub3A_337 : vector<16xf32>
      %add3A_339 = arith.constant 1 : i32
      %add3A_340 = vector.broadcast %add3A_339 : i32 to vector<16xi32>
      %add3A_341 = arith.addi %min3A_331, %add3A_340 : vector<16xi32>
      %convert_element_type3A_342 = arith.sitofp %add3A_341 : vector<16xi32> to vector<16xf32>
      %mul3A_343 = arith.constant 6.250000e-02 : f32
      %mul3A_344 = vector.broadcast %mul3A_343 : f32 to vector<16xf32>
      %mul3A_345 = arith.mulf %convert_element_type3A_342, %mul3A_344 : vector<16xf32>
      %sub3A_346 = arith.constant 1.000000e+00 : f32
      %sub3A_347 = vector.broadcast %sub3A_346 : f32 to vector<16xf32>
      %sub3A_348 = arith.subf %mul3A_345, %sub3A_347 : vector<16xf32>
      %le3A_349 = arith.cmpf ole, %bitcast_convert_type3A_241, %sub3A_338 : vector<16xf32>
      %jit3A_350 = arith.constant 1 : i32
      %jit3A_351 = arith.constant 0 : i32
      %broadcast_in_dim3A_352 = vector.broadcast %jit3A_350 : i32 to vector<16xi32>
      %broadcast_in_dim3A_353 = vector.broadcast %jit3A_351 : i32 to vector<16xi32>
      %select_n3A_354 = arith.select %le3A_349, %broadcast_in_dim3A_352, %broadcast_in_dim3A_353 : vector<16xi1>, vector<16xi32>
      %sub3A_355 = arith.subi %min3A_331, %select_n3A_354 : vector<16xi32>
      %gt3A_356 = arith.cmpf ogt, %bitcast_convert_type3A_241, %sub3A_348 : vector<16xf32>
      %jit3A_357 = arith.constant 1 : i32
      %jit3A_358 = arith.constant 0 : i32
      %broadcast_in_dim3A_359 = vector.broadcast %jit3A_357 : i32 to vector<16xi32>
      %broadcast_in_dim3A_360 = vector.broadcast %jit3A_358 : i32 to vector<16xi32>
      %select_n3A_361 = arith.select %gt3A_356, %broadcast_in_dim3A_359, %broadcast_in_dim3A_360 : vector<16xi1>, vector<16xi32>
      %add3A_362 = arith.addi %sub3A_355, %select_n3A_361 : vector<16xi32>
      %max3A_363 = arith.constant 0 : i32
      %max3A_364 = vector.broadcast %max3A_363 : i32 to vector<16xi32>
      %max3A_365 = arith.maxsi %add3A_362, %max3A_364 : vector<16xi32>
      %min3A_366 = arith.constant 31 : i32
      %min3A_367 = vector.broadcast %min3A_366 : i32 to vector<16xi32>
      %min3A_368 = arith.minsi %max3A_365, %min3A_367 : vector<16xi32>
      %add3A_369 = arith.constant 1 : i32
      %add3A_370 = vector.broadcast %add3A_369 : i32 to vector<16xi32>
      %add3A_371 = arith.addi %min3A_368, %add3A_370 : vector<16xi32>
      %convert_element_type3A_372 = arith.sitofp %add3A_371 : vector<16xi32> to vector<16xf32>
      %mul3A_373 = arith.constant 6.250000e-02 : f32
      %mul3A_374 = vector.broadcast %mul3A_373 : f32 to vector<16xf32>
      %mul3A_375 = arith.mulf %convert_element_type3A_372, %mul3A_374 : vector<16xf32>
      %sub3A_376 = arith.constant 1.000000e+00 : f32
      %sub3A_377 = vector.broadcast %sub3A_376 : f32 to vector<16xf32>
      %sub3A_378 = arith.subf %mul3A_375, %sub3A_377 : vector<16xf32>
      %eq3A_379 = arith.cmpf oeq, %bitcast_convert_type3A_241, %sub3A_378 : vector<16xf32>
      %lt3A_380 = arith.constant 31 : i32
      %lt3A_381 = vector.broadcast %lt3A_380 : i32 to vector<16xi32>
      %lt3A_382 = arith.cmpi slt, %min3A_368, %lt3A_381 : vector<16xi32>
      %and3A_383 = arith.andi %eq3A_379, %lt3A_382 : vector<16xi1>
      %add3A_384 = arith.constant 1.000000e+00 : f32
      %add3A_385 = vector.broadcast %add3A_384 : f32 to vector<16xf32>
      %add3A_386 = arith.addf %bitcast_convert_type3A_256, %add3A_385 : vector<16xf32>
      %mul3A_387 = arith.constant 1.600000e+01 : f32
      %mul3A_388 = vector.broadcast %mul3A_387 : f32 to vector<16xf32>
      %mul3A_389 = arith.mulf %add3A_386, %mul3A_388 : vector<16xf32>
      %convert_element_type3A_390 = arith.fptosi %mul3A_389 : vector<16xf32> to vector<16xi32>
      %max3A_391 = arith.constant 0 : i32
      %max3A_392 = vector.broadcast %max3A_391 : i32 to vector<16xi32>
      %max3A_393 = arith.maxsi %convert_element_type3A_390, %max3A_392 : vector<16xi32>
      %min3A_394 = arith.constant 31 : i32
      %min3A_395 = vector.broadcast %min3A_394 : i32 to vector<16xi32>
      %min3A_396 = arith.minsi %max3A_393, %min3A_395 : vector<16xi32>
      %convert_element_type3A_397 = arith.sitofp %min3A_396 : vector<16xi32> to vector<16xf32>
      %mul3A_398 = arith.constant 6.250000e-02 : f32
      %mul3A_399 = vector.broadcast %mul3A_398 : f32 to vector<16xf32>
      %mul3A_400 = arith.mulf %convert_element_type3A_397, %mul3A_399 : vector<16xf32>
      %sub3A_401 = arith.constant 1.000000e+00 : f32
      %sub3A_402 = vector.broadcast %sub3A_401 : f32 to vector<16xf32>
      %sub3A_403 = arith.subf %mul3A_400, %sub3A_402 : vector<16xf32>
      %add3A_404 = arith.constant 1 : i32
      %add3A_405 = vector.broadcast %add3A_404 : i32 to vector<16xi32>
      %add3A_406 = arith.addi %min3A_396, %add3A_405 : vector<16xi32>
      %convert_element_type3A_407 = arith.sitofp %add3A_406 : vector<16xi32> to vector<16xf32>
      %mul3A_408 = arith.constant 6.250000e-02 : f32
      %mul3A_409 = vector.broadcast %mul3A_408 : f32 to vector<16xf32>
      %mul3A_410 = arith.mulf %convert_element_type3A_407, %mul3A_409 : vector<16xf32>
      %sub3A_411 = arith.constant 1.000000e+00 : f32
      %sub3A_412 = vector.broadcast %sub3A_411 : f32 to vector<16xf32>
      %sub3A_413 = arith.subf %mul3A_410, %sub3A_412 : vector<16xf32>
      %le3A_414 = arith.cmpf ole, %bitcast_convert_type3A_256, %sub3A_403 : vector<16xf32>
      %jit3A_415 = arith.constant 1 : i32
      %jit3A_416 = arith.constant 0 : i32
      %broadcast_in_dim3A_417 = vector.broadcast %jit3A_415 : i32 to vector<16xi32>
      %broadcast_in_dim3A_418 = vector.broadcast %jit3A_416 : i32 to vector<16xi32>
      %select_n3A_419 = arith.select %le3A_414, %broadcast_in_dim3A_417, %broadcast_in_dim3A_418 : vector<16xi1>, vector<16xi32>
      %sub3A_420 = arith.subi %min3A_396, %select_n3A_419 : vector<16xi32>
      %gt3A_421 = arith.cmpf ogt, %bitcast_convert_type3A_256, %sub3A_413 : vector<16xf32>
      %jit3A_422 = arith.constant 1 : i32
      %jit3A_423 = arith.constant 0 : i32
      %broadcast_in_dim3A_424 = vector.broadcast %jit3A_422 : i32 to vector<16xi32>
      %broadcast_in_dim3A_425 = vector.broadcast %jit3A_423 : i32 to vector<16xi32>
      %select_n3A_426 = arith.select %gt3A_421, %broadcast_in_dim3A_424, %broadcast_in_dim3A_425 : vector<16xi1>, vector<16xi32>
      %add3A_427 = arith.addi %sub3A_420, %select_n3A_426 : vector<16xi32>
      %max3A_428 = arith.constant 0 : i32
      %max3A_429 = vector.broadcast %max3A_428 : i32 to vector<16xi32>
      %max3A_430 = arith.maxsi %add3A_427, %max3A_429 : vector<16xi32>
      %min3A_431 = arith.constant 31 : i32
      %min3A_432 = vector.broadcast %min3A_431 : i32 to vector<16xi32>
      %min3A_433 = arith.minsi %max3A_430, %min3A_432 : vector<16xi32>
      %add3A_434 = arith.constant 1 : i32
      %add3A_435 = vector.broadcast %add3A_434 : i32 to vector<16xi32>
      %add3A_436 = arith.addi %min3A_433, %add3A_435 : vector<16xi32>
      %convert_element_type3A_437 = arith.sitofp %add3A_436 : vector<16xi32> to vector<16xf32>
      %mul3A_438 = arith.constant 6.250000e-02 : f32
      %mul3A_439 = vector.broadcast %mul3A_438 : f32 to vector<16xf32>
      %mul3A_440 = arith.mulf %convert_element_type3A_437, %mul3A_439 : vector<16xf32>
      %sub3A_441 = arith.constant 1.000000e+00 : f32
      %sub3A_442 = vector.broadcast %sub3A_441 : f32 to vector<16xf32>
      %sub3A_443 = arith.subf %mul3A_440, %sub3A_442 : vector<16xf32>
      %eq3A_444 = arith.cmpf oeq, %bitcast_convert_type3A_256, %sub3A_443 : vector<16xf32>
      %lt3A_445 = arith.constant 31 : i32
      %lt3A_446 = vector.broadcast %lt3A_445 : i32 to vector<16xi32>
      %lt3A_447 = arith.cmpi slt, %min3A_433, %lt3A_446 : vector<16xi32>
      %and3A_448 = arith.andi %eq3A_444, %lt3A_447 : vector<16xi1>
      %mul3A_449 = arith.mulf %get3A_201, %get3A_201 : vector<16xf32>
      %mul3A_450 = arith.mulf %get3A_207, %get3A_207 : vector<16xf32>
      %add3A_451 = arith.addf %mul3A_449, %mul3A_450 : vector<16xf32>
      %mul3A_452 = arith.mulf %get3A_213, %get3A_213 : vector<16xf32>
      %add3A_453 = arith.addf %add3A_451, %mul3A_452 : vector<16xf32>
      %convert_element_type3A_454 = arith.sitofp %min3A_303 : vector<16xi32> to vector<16xf32>
      %add3A_455 = arith.constant 5.000000e-01 : f32
      %add3A_456 = vector.broadcast %add3A_455 : f32 to vector<16xf32>
      %add3A_457 = arith.addf %convert_element_type3A_454, %add3A_456 : vector<16xf32>
      %mul3A_458 = arith.constant 6.250000e-02 : f32
      %mul3A_459 = vector.broadcast %mul3A_458 : f32 to vector<16xf32>
      %mul3A_460 = arith.mulf %add3A_457, %mul3A_459 : vector<16xf32>
      %sub3A_461 = arith.constant 1.000000e+00 : f32
      %sub3A_462 = vector.broadcast %sub3A_461 : f32 to vector<16xf32>
      %sub3A_463 = arith.subf %mul3A_460, %sub3A_462 : vector<16xf32>
      %convert_element_type3A_464 = arith.sitofp %min3A_368 : vector<16xi32> to vector<16xf32>
      %add3A_465 = arith.constant 5.000000e-01 : f32
      %add3A_466 = vector.broadcast %add3A_465 : f32 to vector<16xf32>
      %add3A_467 = arith.addf %convert_element_type3A_464, %add3A_466 : vector<16xf32>
      %mul3A_468 = arith.constant 6.250000e-02 : f32
      %mul3A_469 = vector.broadcast %mul3A_468 : f32 to vector<16xf32>
      %mul3A_470 = arith.mulf %add3A_467, %mul3A_469 : vector<16xf32>
      %sub3A_471 = arith.constant 1.000000e+00 : f32
      %sub3A_472 = vector.broadcast %sub3A_471 : f32 to vector<16xf32>
      %sub3A_473 = arith.subf %mul3A_470, %sub3A_472 : vector<16xf32>
      %convert_element_type3A_474 = arith.sitofp %min3A_433 : vector<16xi32> to vector<16xf32>
      %add3A_475 = arith.constant 5.000000e-01 : f32
      %add3A_476 = vector.broadcast %add3A_475 : f32 to vector<16xf32>
      %add3A_477 = arith.addf %convert_element_type3A_474, %add3A_476 : vector<16xf32>
      %mul3A_478 = arith.constant 6.250000e-02 : f32
      %mul3A_479 = vector.broadcast %mul3A_478 : f32 to vector<16xf32>
      %mul3A_480 = arith.mulf %add3A_477, %mul3A_479 : vector<16xf32>
      %sub3A_481 = arith.constant 1.000000e+00 : f32
      %sub3A_482 = vector.broadcast %sub3A_481 : f32 to vector<16xf32>
      %sub3A_483 = arith.subf %mul3A_480, %sub3A_482 : vector<16xf32>
      %mul3A_484 = arith.mulf %sub3A_463, %sub3A_463 : vector<16xf32>
      %mul3A_485 = arith.mulf %sub3A_473, %sub3A_473 : vector<16xf32>
      %add3A_486 = arith.addf %mul3A_484, %mul3A_485 : vector<16xf32>
      %mul3A_487 = arith.mulf %sub3A_483, %sub3A_483 : vector<16xf32>
      %add3A_488 = arith.addf %add3A_486, %mul3A_487 : vector<16xf32>
      %mul3A_489 = arith.mulf %bitcast_convert_type3A_226, %sub3A_463 : vector<16xf32>
      %mul3A_490 = arith.mulf %bitcast_convert_type3A_241, %sub3A_473 : vector<16xf32>
      %add3A_491 = arith.addf %mul3A_489, %mul3A_490 : vector<16xf32>
      %mul3A_492 = arith.mulf %bitcast_convert_type3A_256, %sub3A_483 : vector<16xf32>
      %add3A_493 = arith.addf %add3A_491, %mul3A_492 : vector<16xf32>
      %add3A_494 = arith.addf %add3A_453, %add3A_488 : vector<16xf32>
      %mul3A_495 = arith.constant 2.000000e+00 : f32
      %mul3A_496 = vector.broadcast %mul3A_495 : f32 to vector<16xf32>
      %mul3A_497 = arith.mulf %mul3A_496, %add3A_493 : vector<16xf32>
      %sub3A_498 = arith.subf %add3A_494, %mul3A_497 : vector<16xf32>
      %mul3A_499 = arith.constant 1024 : i32
      %mul3A_500 = vector.broadcast %mul3A_499 : i32 to vector<16xi32>
      %mul3A_501 = arith.muli %min3A_303, %mul3A_500 : vector<16xi32>
      %mul3A_502 = arith.constant 32 : i32
      %mul3A_503 = vector.broadcast %mul3A_502 : i32 to vector<16xi32>
      %mul3A_504 = arith.muli %min3A_368, %mul3A_503 : vector<16xi32>
      %add3A_505 = arith.addi %mul3A_501, %mul3A_504 : vector<16xi32>
      %add3A_506 = arith.addi %add3A_505, %min3A_433 : vector<16xi32>
      %jit3A_507 = arith.constant 1 : i32
      %jit3A_508 = arith.constant 0 : i32
      %broadcast_in_dim3A_509 = vector.broadcast %jit3A_507 : i32 to vector<16xi32>
      %broadcast_in_dim3A_510 = vector.broadcast %jit3A_508 : i32 to vector<16xi32>
      %select_n3A_511 = arith.select %and3A_448, %broadcast_in_dim3A_509, %broadcast_in_dim3A_510 : vector<16xi1>, vector<16xi32>
      %add3A_512 = arith.addi %min3A_433, %select_n3A_511 : vector<16xi32>
      %convert_element_type3A_513 = arith.sitofp %min3A_303 : vector<16xi32> to vector<16xf32>
      %add3A_514 = arith.constant 5.000000e-01 : f32
      %add3A_515 = vector.broadcast %add3A_514 : f32 to vector<16xf32>
      %add3A_516 = arith.addf %convert_element_type3A_513, %add3A_515 : vector<16xf32>
      %mul3A_517 = arith.constant 6.250000e-02 : f32
      %mul3A_518 = vector.broadcast %mul3A_517 : f32 to vector<16xf32>
      %mul3A_519 = arith.mulf %add3A_516, %mul3A_518 : vector<16xf32>
      %sub3A_520 = arith.constant 1.000000e+00 : f32
      %sub3A_521 = vector.broadcast %sub3A_520 : f32 to vector<16xf32>
      %sub3A_522 = arith.subf %mul3A_519, %sub3A_521 : vector<16xf32>
      %convert_element_type3A_523 = arith.sitofp %min3A_368 : vector<16xi32> to vector<16xf32>
      %add3A_524 = arith.constant 5.000000e-01 : f32
      %add3A_525 = vector.broadcast %add3A_524 : f32 to vector<16xf32>
      %add3A_526 = arith.addf %convert_element_type3A_523, %add3A_525 : vector<16xf32>
      %mul3A_527 = arith.constant 6.250000e-02 : f32
      %mul3A_528 = vector.broadcast %mul3A_527 : f32 to vector<16xf32>
      %mul3A_529 = arith.mulf %add3A_526, %mul3A_528 : vector<16xf32>
      %sub3A_530 = arith.constant 1.000000e+00 : f32
      %sub3A_531 = vector.broadcast %sub3A_530 : f32 to vector<16xf32>
      %sub3A_532 = arith.subf %mul3A_529, %sub3A_531 : vector<16xf32>
      %convert_element_type3A_533 = arith.sitofp %add3A_512 : vector<16xi32> to vector<16xf32>
      %add3A_534 = arith.constant 5.000000e-01 : f32
      %add3A_535 = vector.broadcast %add3A_534 : f32 to vector<16xf32>
      %add3A_536 = arith.addf %convert_element_type3A_533, %add3A_535 : vector<16xf32>
      %mul3A_537 = arith.constant 6.250000e-02 : f32
      %mul3A_538 = vector.broadcast %mul3A_537 : f32 to vector<16xf32>
      %mul3A_539 = arith.mulf %add3A_536, %mul3A_538 : vector<16xf32>
      %sub3A_540 = arith.constant 1.000000e+00 : f32
      %sub3A_541 = vector.broadcast %sub3A_540 : f32 to vector<16xf32>
      %sub3A_542 = arith.subf %mul3A_539, %sub3A_541 : vector<16xf32>
      %mul3A_543 = arith.mulf %sub3A_522, %sub3A_522 : vector<16xf32>
      %mul3A_544 = arith.mulf %sub3A_532, %sub3A_532 : vector<16xf32>
      %add3A_545 = arith.addf %mul3A_543, %mul3A_544 : vector<16xf32>
      %mul3A_546 = arith.mulf %sub3A_542, %sub3A_542 : vector<16xf32>
      %add3A_547 = arith.addf %add3A_545, %mul3A_546 : vector<16xf32>
      %mul3A_548 = arith.mulf %bitcast_convert_type3A_226, %sub3A_522 : vector<16xf32>
      %mul3A_549 = arith.mulf %bitcast_convert_type3A_241, %sub3A_532 : vector<16xf32>
      %add3A_550 = arith.addf %mul3A_548, %mul3A_549 : vector<16xf32>
      %mul3A_551 = arith.mulf %bitcast_convert_type3A_256, %sub3A_542 : vector<16xf32>
      %add3A_552 = arith.addf %add3A_550, %mul3A_551 : vector<16xf32>
      %add3A_553 = arith.addf %add3A_453, %add3A_547 : vector<16xf32>
      %mul3A_554 = arith.constant 2.000000e+00 : f32
      %mul3A_555 = vector.broadcast %mul3A_554 : f32 to vector<16xf32>
      %mul3A_556 = arith.mulf %mul3A_555, %add3A_552 : vector<16xf32>
      %sub3A_557 = arith.subf %add3A_553, %mul3A_556 : vector<16xf32>
      %mul3A_558 = arith.constant 1024 : i32
      %mul3A_559 = vector.broadcast %mul3A_558 : i32 to vector<16xi32>
      %mul3A_560 = arith.muli %min3A_303, %mul3A_559 : vector<16xi32>
      %mul3A_561 = arith.constant 32 : i32
      %mul3A_562 = vector.broadcast %mul3A_561 : i32 to vector<16xi32>
      %mul3A_563 = arith.muli %min3A_368, %mul3A_562 : vector<16xi32>
      %add3A_564 = arith.addi %mul3A_560, %mul3A_563 : vector<16xi32>
      %add3A_565 = arith.addi %add3A_564, %add3A_512 : vector<16xi32>
      %lt3A_566 = arith.cmpf olt, %sub3A_557, %sub3A_498 : vector<16xf32>
      %eq3A_567 = arith.cmpf oeq, %sub3A_557, %sub3A_498 : vector<16xf32>
      %lt3A_568 = arith.cmpi slt, %add3A_565, %add3A_506 : vector<16xi32>
      %and3A_569 = arith.andi %eq3A_567, %lt3A_568 : vector<16xi1>
      %or3A = arith.ori %lt3A_566, %and3A_569 : vector<16xi1>
      %select_n3A_570 = arith.select %or3A, %sub3A_557, %sub3A_498 : vector<16xi1>, vector<16xf32>
      %select_n3A_571 = arith.select %or3A, %add3A_565, %add3A_506 : vector<16xi1>, vector<16xi32>
      %jit3A_572 = arith.constant 1 : i32
      %jit3A_573 = arith.constant 0 : i32
      %broadcast_in_dim3A_574 = vector.broadcast %jit3A_572 : i32 to vector<16xi32>
      %broadcast_in_dim3A_575 = vector.broadcast %jit3A_573 : i32 to vector<16xi32>
      %select_n3A_576 = arith.select %and3A_383, %broadcast_in_dim3A_574, %broadcast_in_dim3A_575 : vector<16xi1>, vector<16xi32>
      %add3A_577 = arith.addi %min3A_368, %select_n3A_576 : vector<16xi32>
      %convert_element_type3A_578 = arith.sitofp %min3A_303 : vector<16xi32> to vector<16xf32>
      %add3A_579 = arith.constant 5.000000e-01 : f32
      %add3A_580 = vector.broadcast %add3A_579 : f32 to vector<16xf32>
      %add3A_581 = arith.addf %convert_element_type3A_578, %add3A_580 : vector<16xf32>
      %mul3A_582 = arith.constant 6.250000e-02 : f32
      %mul3A_583 = vector.broadcast %mul3A_582 : f32 to vector<16xf32>
      %mul3A_584 = arith.mulf %add3A_581, %mul3A_583 : vector<16xf32>
      %sub3A_585 = arith.constant 1.000000e+00 : f32
      %sub3A_586 = vector.broadcast %sub3A_585 : f32 to vector<16xf32>
      %sub3A_587 = arith.subf %mul3A_584, %sub3A_586 : vector<16xf32>
      %convert_element_type3A_588 = arith.sitofp %add3A_577 : vector<16xi32> to vector<16xf32>
      %add3A_589 = arith.constant 5.000000e-01 : f32
      %add3A_590 = vector.broadcast %add3A_589 : f32 to vector<16xf32>
      %add3A_591 = arith.addf %convert_element_type3A_588, %add3A_590 : vector<16xf32>
      %mul3A_592 = arith.constant 6.250000e-02 : f32
      %mul3A_593 = vector.broadcast %mul3A_592 : f32 to vector<16xf32>
      %mul3A_594 = arith.mulf %add3A_591, %mul3A_593 : vector<16xf32>
      %sub3A_595 = arith.constant 1.000000e+00 : f32
      %sub3A_596 = vector.broadcast %sub3A_595 : f32 to vector<16xf32>
      %sub3A_597 = arith.subf %mul3A_594, %sub3A_596 : vector<16xf32>
      %convert_element_type3A_598 = arith.sitofp %min3A_433 : vector<16xi32> to vector<16xf32>
      %add3A_599 = arith.constant 5.000000e-01 : f32
      %add3A_600 = vector.broadcast %add3A_599 : f32 to vector<16xf32>
      %add3A_601 = arith.addf %convert_element_type3A_598, %add3A_600 : vector<16xf32>
      %mul3A_602 = arith.constant 6.250000e-02 : f32
      %mul3A_603 = vector.broadcast %mul3A_602 : f32 to vector<16xf32>
      %mul3A_604 = arith.mulf %add3A_601, %mul3A_603 : vector<16xf32>
      %sub3A_605 = arith.constant 1.000000e+00 : f32
      %sub3A_606 = vector.broadcast %sub3A_605 : f32 to vector<16xf32>
      %sub3A_607 = arith.subf %mul3A_604, %sub3A_606 : vector<16xf32>
      %mul3A_608 = arith.mulf %sub3A_587, %sub3A_587 : vector<16xf32>
      %mul3A_609 = arith.mulf %sub3A_597, %sub3A_597 : vector<16xf32>
      %add3A_610 = arith.addf %mul3A_608, %mul3A_609 : vector<16xf32>
      %mul3A_611 = arith.mulf %sub3A_607, %sub3A_607 : vector<16xf32>
      %add3A_612 = arith.addf %add3A_610, %mul3A_611 : vector<16xf32>
      %mul3A_613 = arith.mulf %bitcast_convert_type3A_226, %sub3A_587 : vector<16xf32>
      %mul3A_614 = arith.mulf %bitcast_convert_type3A_241, %sub3A_597 : vector<16xf32>
      %add3A_615 = arith.addf %mul3A_613, %mul3A_614 : vector<16xf32>
      %mul3A_616 = arith.mulf %bitcast_convert_type3A_256, %sub3A_607 : vector<16xf32>
      %add3A_617 = arith.addf %add3A_615, %mul3A_616 : vector<16xf32>
      %add3A_618 = arith.addf %add3A_453, %add3A_612 : vector<16xf32>
      %mul3A_619 = arith.constant 2.000000e+00 : f32
      %mul3A_620 = vector.broadcast %mul3A_619 : f32 to vector<16xf32>
      %mul3A_621 = arith.mulf %mul3A_620, %add3A_617 : vector<16xf32>
      %sub3A_622 = arith.subf %add3A_618, %mul3A_621 : vector<16xf32>
      %mul3A_623 = arith.constant 1024 : i32
      %mul3A_624 = vector.broadcast %mul3A_623 : i32 to vector<16xi32>
      %mul3A_625 = arith.muli %min3A_303, %mul3A_624 : vector<16xi32>
      %mul3A_626 = arith.constant 32 : i32
      %mul3A_627 = vector.broadcast %mul3A_626 : i32 to vector<16xi32>
      %mul3A_628 = arith.muli %add3A_577, %mul3A_627 : vector<16xi32>
      %add3A_629 = arith.addi %mul3A_625, %mul3A_628 : vector<16xi32>
      %add3A_630 = arith.addi %add3A_629, %min3A_433 : vector<16xi32>
      %lt3A_631 = arith.cmpf olt, %sub3A_622, %select_n3A_570 : vector<16xf32>
      %eq3A_632 = arith.cmpf oeq, %sub3A_622, %select_n3A_570 : vector<16xf32>
      %lt3A_633 = arith.cmpi slt, %add3A_630, %select_n3A_571 : vector<16xi32>
      %and3A_634 = arith.andi %eq3A_632, %lt3A_633 : vector<16xi1>
      %or3A_635 = arith.ori %lt3A_631, %and3A_634 : vector<16xi1>
      %select_n3A_636 = arith.select %or3A_635, %sub3A_622, %select_n3A_570 : vector<16xi1>, vector<16xf32>
      %select_n3A_637 = arith.select %or3A_635, %add3A_630, %select_n3A_571 : vector<16xi1>, vector<16xi32>
      %jit3A_638 = arith.constant 1 : i32
      %jit3A_639 = arith.constant 0 : i32
      %broadcast_in_dim3A_640 = vector.broadcast %jit3A_638 : i32 to vector<16xi32>
      %broadcast_in_dim3A_641 = vector.broadcast %jit3A_639 : i32 to vector<16xi32>
      %select_n3A_642 = arith.select %and3A_383, %broadcast_in_dim3A_640, %broadcast_in_dim3A_641 : vector<16xi1>, vector<16xi32>
      %add3A_643 = arith.addi %min3A_368, %select_n3A_642 : vector<16xi32>
      %jit3A_644 = arith.constant 1 : i32
      %jit3A_645 = arith.constant 0 : i32
      %broadcast_in_dim3A_646 = vector.broadcast %jit3A_644 : i32 to vector<16xi32>
      %broadcast_in_dim3A_647 = vector.broadcast %jit3A_645 : i32 to vector<16xi32>
      %select_n3A_648 = arith.select %and3A_448, %broadcast_in_dim3A_646, %broadcast_in_dim3A_647 : vector<16xi1>, vector<16xi32>
      %add3A_649 = arith.addi %min3A_433, %select_n3A_648 : vector<16xi32>
      %convert_element_type3A_650 = arith.sitofp %min3A_303 : vector<16xi32> to vector<16xf32>
      %add3A_651 = arith.constant 5.000000e-01 : f32
      %add3A_652 = vector.broadcast %add3A_651 : f32 to vector<16xf32>
      %add3A_653 = arith.addf %convert_element_type3A_650, %add3A_652 : vector<16xf32>
      %mul3A_654 = arith.constant 6.250000e-02 : f32
      %mul3A_655 = vector.broadcast %mul3A_654 : f32 to vector<16xf32>
      %mul3A_656 = arith.mulf %add3A_653, %mul3A_655 : vector<16xf32>
      %sub3A_657 = arith.constant 1.000000e+00 : f32
      %sub3A_658 = vector.broadcast %sub3A_657 : f32 to vector<16xf32>
      %sub3A_659 = arith.subf %mul3A_656, %sub3A_658 : vector<16xf32>
      %convert_element_type3A_660 = arith.sitofp %add3A_643 : vector<16xi32> to vector<16xf32>
      %add3A_661 = arith.constant 5.000000e-01 : f32
      %add3A_662 = vector.broadcast %add3A_661 : f32 to vector<16xf32>
      %add3A_663 = arith.addf %convert_element_type3A_660, %add3A_662 : vector<16xf32>
      %mul3A_664 = arith.constant 6.250000e-02 : f32
      %mul3A_665 = vector.broadcast %mul3A_664 : f32 to vector<16xf32>
      %mul3A_666 = arith.mulf %add3A_663, %mul3A_665 : vector<16xf32>
      %sub3A_667 = arith.constant 1.000000e+00 : f32
      %sub3A_668 = vector.broadcast %sub3A_667 : f32 to vector<16xf32>
      %sub3A_669 = arith.subf %mul3A_666, %sub3A_668 : vector<16xf32>
      %convert_element_type3A_670 = arith.sitofp %add3A_649 : vector<16xi32> to vector<16xf32>
      %add3A_671 = arith.constant 5.000000e-01 : f32
      %add3A_672 = vector.broadcast %add3A_671 : f32 to vector<16xf32>
      %add3A_673 = arith.addf %convert_element_type3A_670, %add3A_672 : vector<16xf32>
      %mul3A_674 = arith.constant 6.250000e-02 : f32
      %mul3A_675 = vector.broadcast %mul3A_674 : f32 to vector<16xf32>
      %mul3A_676 = arith.mulf %add3A_673, %mul3A_675 : vector<16xf32>
      %sub3A_677 = arith.constant 1.000000e+00 : f32
      %sub3A_678 = vector.broadcast %sub3A_677 : f32 to vector<16xf32>
      %sub3A_679 = arith.subf %mul3A_676, %sub3A_678 : vector<16xf32>
      %mul3A_680 = arith.mulf %sub3A_659, %sub3A_659 : vector<16xf32>
      %mul3A_681 = arith.mulf %sub3A_669, %sub3A_669 : vector<16xf32>
      %add3A_682 = arith.addf %mul3A_680, %mul3A_681 : vector<16xf32>
      %mul3A_683 = arith.mulf %sub3A_679, %sub3A_679 : vector<16xf32>
      %add3A_684 = arith.addf %add3A_682, %mul3A_683 : vector<16xf32>
      %mul3A_685 = arith.mulf %bitcast_convert_type3A_226, %sub3A_659 : vector<16xf32>
      %mul3A_686 = arith.mulf %bitcast_convert_type3A_241, %sub3A_669 : vector<16xf32>
      %add3A_687 = arith.addf %mul3A_685, %mul3A_686 : vector<16xf32>
      %mul3A_688 = arith.mulf %bitcast_convert_type3A_256, %sub3A_679 : vector<16xf32>
      %add3A_689 = arith.addf %add3A_687, %mul3A_688 : vector<16xf32>
      %add3A_690 = arith.addf %add3A_453, %add3A_684 : vector<16xf32>
      %mul3A_691 = arith.constant 2.000000e+00 : f32
      %mul3A_692 = vector.broadcast %mul3A_691 : f32 to vector<16xf32>
      %mul3A_693 = arith.mulf %mul3A_692, %add3A_689 : vector<16xf32>
      %sub3A_694 = arith.subf %add3A_690, %mul3A_693 : vector<16xf32>
      %mul3A_695 = arith.constant 1024 : i32
      %mul3A_696 = vector.broadcast %mul3A_695 : i32 to vector<16xi32>
      %mul3A_697 = arith.muli %min3A_303, %mul3A_696 : vector<16xi32>
      %mul3A_698 = arith.constant 32 : i32
      %mul3A_699 = vector.broadcast %mul3A_698 : i32 to vector<16xi32>
      %mul3A_700 = arith.muli %add3A_643, %mul3A_699 : vector<16xi32>
      %add3A_701 = arith.addi %mul3A_697, %mul3A_700 : vector<16xi32>
      %add3A_702 = arith.addi %add3A_701, %add3A_649 : vector<16xi32>
      %lt3A_703 = arith.cmpf olt, %sub3A_694, %select_n3A_636 : vector<16xf32>
      %eq3A_704 = arith.cmpf oeq, %sub3A_694, %select_n3A_636 : vector<16xf32>
      %lt3A_705 = arith.cmpi slt, %add3A_702, %select_n3A_637 : vector<16xi32>
      %and3A_706 = arith.andi %eq3A_704, %lt3A_705 : vector<16xi1>
      %or3A_707 = arith.ori %lt3A_703, %and3A_706 : vector<16xi1>
      %select_n3A_708 = arith.select %or3A_707, %sub3A_694, %select_n3A_636 : vector<16xi1>, vector<16xf32>
      %select_n3A_709 = arith.select %or3A_707, %add3A_702, %select_n3A_637 : vector<16xi1>, vector<16xi32>
      %jit3A_710 = arith.constant 1 : i32
      %jit3A_711 = arith.constant 0 : i32
      %broadcast_in_dim3A_712 = vector.broadcast %jit3A_710 : i32 to vector<16xi32>
      %broadcast_in_dim3A_713 = vector.broadcast %jit3A_711 : i32 to vector<16xi32>
      %select_n3A_714 = arith.select %and3A_318, %broadcast_in_dim3A_712, %broadcast_in_dim3A_713 : vector<16xi1>, vector<16xi32>
      %add3A_715 = arith.addi %min3A_303, %select_n3A_714 : vector<16xi32>
      %convert_element_type3A_716 = arith.sitofp %add3A_715 : vector<16xi32> to vector<16xf32>
      %add3A_717 = arith.constant 5.000000e-01 : f32
      %add3A_718 = vector.broadcast %add3A_717 : f32 to vector<16xf32>
      %add3A_719 = arith.addf %convert_element_type3A_716, %add3A_718 : vector<16xf32>
      %mul3A_720 = arith.constant 6.250000e-02 : f32
      %mul3A_721 = vector.broadcast %mul3A_720 : f32 to vector<16xf32>
      %mul3A_722 = arith.mulf %add3A_719, %mul3A_721 : vector<16xf32>
      %sub3A_723 = arith.constant 1.000000e+00 : f32
      %sub3A_724 = vector.broadcast %sub3A_723 : f32 to vector<16xf32>
      %sub3A_725 = arith.subf %mul3A_722, %sub3A_724 : vector<16xf32>
      %convert_element_type3A_726 = arith.sitofp %min3A_368 : vector<16xi32> to vector<16xf32>
      %add3A_727 = arith.constant 5.000000e-01 : f32
      %add3A_728 = vector.broadcast %add3A_727 : f32 to vector<16xf32>
      %add3A_729 = arith.addf %convert_element_type3A_726, %add3A_728 : vector<16xf32>
      %mul3A_730 = arith.constant 6.250000e-02 : f32
      %mul3A_731 = vector.broadcast %mul3A_730 : f32 to vector<16xf32>
      %mul3A_732 = arith.mulf %add3A_729, %mul3A_731 : vector<16xf32>
      %sub3A_733 = arith.constant 1.000000e+00 : f32
      %sub3A_734 = vector.broadcast %sub3A_733 : f32 to vector<16xf32>
      %sub3A_735 = arith.subf %mul3A_732, %sub3A_734 : vector<16xf32>
      %convert_element_type3A_736 = arith.sitofp %min3A_433 : vector<16xi32> to vector<16xf32>
      %add3A_737 = arith.constant 5.000000e-01 : f32
      %add3A_738 = vector.broadcast %add3A_737 : f32 to vector<16xf32>
      %add3A_739 = arith.addf %convert_element_type3A_736, %add3A_738 : vector<16xf32>
      %mul3A_740 = arith.constant 6.250000e-02 : f32
      %mul3A_741 = vector.broadcast %mul3A_740 : f32 to vector<16xf32>
      %mul3A_742 = arith.mulf %add3A_739, %mul3A_741 : vector<16xf32>
      %sub3A_743 = arith.constant 1.000000e+00 : f32
      %sub3A_744 = vector.broadcast %sub3A_743 : f32 to vector<16xf32>
      %sub3A_745 = arith.subf %mul3A_742, %sub3A_744 : vector<16xf32>
      %mul3A_746 = arith.mulf %sub3A_725, %sub3A_725 : vector<16xf32>
      %mul3A_747 = arith.mulf %sub3A_735, %sub3A_735 : vector<16xf32>
      %add3A_748 = arith.addf %mul3A_746, %mul3A_747 : vector<16xf32>
      %mul3A_749 = arith.mulf %sub3A_745, %sub3A_745 : vector<16xf32>
      %add3A_750 = arith.addf %add3A_748, %mul3A_749 : vector<16xf32>
      %mul3A_751 = arith.mulf %bitcast_convert_type3A_226, %sub3A_725 : vector<16xf32>
      %mul3A_752 = arith.mulf %bitcast_convert_type3A_241, %sub3A_735 : vector<16xf32>
      %add3A_753 = arith.addf %mul3A_751, %mul3A_752 : vector<16xf32>
      %mul3A_754 = arith.mulf %bitcast_convert_type3A_256, %sub3A_745 : vector<16xf32>
      %add3A_755 = arith.addf %add3A_753, %mul3A_754 : vector<16xf32>
      %add3A_756 = arith.addf %add3A_453, %add3A_750 : vector<16xf32>
      %mul3A_757 = arith.constant 2.000000e+00 : f32
      %mul3A_758 = vector.broadcast %mul3A_757 : f32 to vector<16xf32>
      %mul3A_759 = arith.mulf %mul3A_758, %add3A_755 : vector<16xf32>
      %sub3A_760 = arith.subf %add3A_756, %mul3A_759 : vector<16xf32>
      %mul3A_761 = arith.constant 1024 : i32
      %mul3A_762 = vector.broadcast %mul3A_761 : i32 to vector<16xi32>
      %mul3A_763 = arith.muli %add3A_715, %mul3A_762 : vector<16xi32>
      %mul3A_764 = arith.constant 32 : i32
      %mul3A_765 = vector.broadcast %mul3A_764 : i32 to vector<16xi32>
      %mul3A_766 = arith.muli %min3A_368, %mul3A_765 : vector<16xi32>
      %add3A_767 = arith.addi %mul3A_763, %mul3A_766 : vector<16xi32>
      %add3A_768 = arith.addi %add3A_767, %min3A_433 : vector<16xi32>
      %lt3A_769 = arith.cmpf olt, %sub3A_760, %select_n3A_708 : vector<16xf32>
      %eq3A_770 = arith.cmpf oeq, %sub3A_760, %select_n3A_708 : vector<16xf32>
      %lt3A_771 = arith.cmpi slt, %add3A_768, %select_n3A_709 : vector<16xi32>
      %and3A_772 = arith.andi %eq3A_770, %lt3A_771 : vector<16xi1>
      %or3A_773 = arith.ori %lt3A_769, %and3A_772 : vector<16xi1>
      %select_n3A_774 = arith.select %or3A_773, %sub3A_760, %select_n3A_708 : vector<16xi1>, vector<16xf32>
      %select_n3A_775 = arith.select %or3A_773, %add3A_768, %select_n3A_709 : vector<16xi1>, vector<16xi32>
      %jit3A_776 = arith.constant 1 : i32
      %jit3A_777 = arith.constant 0 : i32
      %broadcast_in_dim3A_778 = vector.broadcast %jit3A_776 : i32 to vector<16xi32>
      %broadcast_in_dim3A_779 = vector.broadcast %jit3A_777 : i32 to vector<16xi32>
      %select_n3A_780 = arith.select %and3A_318, %broadcast_in_dim3A_778, %broadcast_in_dim3A_779 : vector<16xi1>, vector<16xi32>
      %add3A_781 = arith.addi %min3A_303, %select_n3A_780 : vector<16xi32>
      %jit3A_782 = arith.constant 1 : i32
      %jit3A_783 = arith.constant 0 : i32
      %broadcast_in_dim3A_784 = vector.broadcast %jit3A_782 : i32 to vector<16xi32>
      %broadcast_in_dim3A_785 = vector.broadcast %jit3A_783 : i32 to vector<16xi32>
      %select_n3A_786 = arith.select %and3A_448, %broadcast_in_dim3A_784, %broadcast_in_dim3A_785 : vector<16xi1>, vector<16xi32>
      %add3A_787 = arith.addi %min3A_433, %select_n3A_786 : vector<16xi32>
      %convert_element_type3A_788 = arith.sitofp %add3A_781 : vector<16xi32> to vector<16xf32>
      %add3A_789 = arith.constant 5.000000e-01 : f32
      %add3A_790 = vector.broadcast %add3A_789 : f32 to vector<16xf32>
      %add3A_791 = arith.addf %convert_element_type3A_788, %add3A_790 : vector<16xf32>
      %mul3A_792 = arith.constant 6.250000e-02 : f32
      %mul3A_793 = vector.broadcast %mul3A_792 : f32 to vector<16xf32>
      %mul3A_794 = arith.mulf %add3A_791, %mul3A_793 : vector<16xf32>
      %sub3A_795 = arith.constant 1.000000e+00 : f32
      %sub3A_796 = vector.broadcast %sub3A_795 : f32 to vector<16xf32>
      %sub3A_797 = arith.subf %mul3A_794, %sub3A_796 : vector<16xf32>
      %convert_element_type3A_798 = arith.sitofp %min3A_368 : vector<16xi32> to vector<16xf32>
      %add3A_799 = arith.constant 5.000000e-01 : f32
      %add3A_800 = vector.broadcast %add3A_799 : f32 to vector<16xf32>
      %add3A_801 = arith.addf %convert_element_type3A_798, %add3A_800 : vector<16xf32>
      %mul3A_802 = arith.constant 6.250000e-02 : f32
      %mul3A_803 = vector.broadcast %mul3A_802 : f32 to vector<16xf32>
      %mul3A_804 = arith.mulf %add3A_801, %mul3A_803 : vector<16xf32>
      %sub3A_805 = arith.constant 1.000000e+00 : f32
      %sub3A_806 = vector.broadcast %sub3A_805 : f32 to vector<16xf32>
      %sub3A_807 = arith.subf %mul3A_804, %sub3A_806 : vector<16xf32>
      %convert_element_type3A_808 = arith.sitofp %add3A_787 : vector<16xi32> to vector<16xf32>
      %add3A_809 = arith.constant 5.000000e-01 : f32
      %add3A_810 = vector.broadcast %add3A_809 : f32 to vector<16xf32>
      %add3A_811 = arith.addf %convert_element_type3A_808, %add3A_810 : vector<16xf32>
      %mul3A_812 = arith.constant 6.250000e-02 : f32
      %mul3A_813 = vector.broadcast %mul3A_812 : f32 to vector<16xf32>
      %mul3A_814 = arith.mulf %add3A_811, %mul3A_813 : vector<16xf32>
      %sub3A_815 = arith.constant 1.000000e+00 : f32
      %sub3A_816 = vector.broadcast %sub3A_815 : f32 to vector<16xf32>
      %sub3A_817 = arith.subf %mul3A_814, %sub3A_816 : vector<16xf32>
      %mul3A_818 = arith.mulf %sub3A_797, %sub3A_797 : vector<16xf32>
      %mul3A_819 = arith.mulf %sub3A_807, %sub3A_807 : vector<16xf32>
      %add3A_820 = arith.addf %mul3A_818, %mul3A_819 : vector<16xf32>
      %mul3A_821 = arith.mulf %sub3A_817, %sub3A_817 : vector<16xf32>
      %add3A_822 = arith.addf %add3A_820, %mul3A_821 : vector<16xf32>
      %mul3A_823 = arith.mulf %bitcast_convert_type3A_226, %sub3A_797 : vector<16xf32>
      %mul3A_824 = arith.mulf %bitcast_convert_type3A_241, %sub3A_807 : vector<16xf32>
      %add3A_825 = arith.addf %mul3A_823, %mul3A_824 : vector<16xf32>
      %mul3A_826 = arith.mulf %bitcast_convert_type3A_256, %sub3A_817 : vector<16xf32>
      %add3A_827 = arith.addf %add3A_825, %mul3A_826 : vector<16xf32>
      %add3A_828 = arith.addf %add3A_453, %add3A_822 : vector<16xf32>
      %mul3A_829 = arith.constant 2.000000e+00 : f32
      %mul3A_830 = vector.broadcast %mul3A_829 : f32 to vector<16xf32>
      %mul3A_831 = arith.mulf %mul3A_830, %add3A_827 : vector<16xf32>
      %sub3A_832 = arith.subf %add3A_828, %mul3A_831 : vector<16xf32>
      %mul3A_833 = arith.constant 1024 : i32
      %mul3A_834 = vector.broadcast %mul3A_833 : i32 to vector<16xi32>
      %mul3A_835 = arith.muli %add3A_781, %mul3A_834 : vector<16xi32>
      %mul3A_836 = arith.constant 32 : i32
      %mul3A_837 = vector.broadcast %mul3A_836 : i32 to vector<16xi32>
      %mul3A_838 = arith.muli %min3A_368, %mul3A_837 : vector<16xi32>
      %add3A_839 = arith.addi %mul3A_835, %mul3A_838 : vector<16xi32>
      %add3A_840 = arith.addi %add3A_839, %add3A_787 : vector<16xi32>
      %lt3A_841 = arith.cmpf olt, %sub3A_832, %select_n3A_774 : vector<16xf32>
      %eq3A_842 = arith.cmpf oeq, %sub3A_832, %select_n3A_774 : vector<16xf32>
      %lt3A_843 = arith.cmpi slt, %add3A_840, %select_n3A_775 : vector<16xi32>
      %and3A_844 = arith.andi %eq3A_842, %lt3A_843 : vector<16xi1>
      %or3A_845 = arith.ori %lt3A_841, %and3A_844 : vector<16xi1>
      %select_n3A_846 = arith.select %or3A_845, %sub3A_832, %select_n3A_774 : vector<16xi1>, vector<16xf32>
      %select_n3A_847 = arith.select %or3A_845, %add3A_840, %select_n3A_775 : vector<16xi1>, vector<16xi32>
      %jit3A_848 = arith.constant 1 : i32
      %jit3A_849 = arith.constant 0 : i32
      %broadcast_in_dim3A_850 = vector.broadcast %jit3A_848 : i32 to vector<16xi32>
      %broadcast_in_dim3A_851 = vector.broadcast %jit3A_849 : i32 to vector<16xi32>
      %select_n3A_852 = arith.select %and3A_318, %broadcast_in_dim3A_850, %broadcast_in_dim3A_851 : vector<16xi1>, vector<16xi32>
      %add3A_853 = arith.addi %min3A_303, %select_n3A_852 : vector<16xi32>
      %jit3A_854 = arith.constant 1 : i32
      %jit3A_855 = arith.constant 0 : i32
      %broadcast_in_dim3A_856 = vector.broadcast %jit3A_854 : i32 to vector<16xi32>
      %broadcast_in_dim3A_857 = vector.broadcast %jit3A_855 : i32 to vector<16xi32>
      %select_n3A_858 = arith.select %and3A_383, %broadcast_in_dim3A_856, %broadcast_in_dim3A_857 : vector<16xi1>, vector<16xi32>
      %add3A_859 = arith.addi %min3A_368, %select_n3A_858 : vector<16xi32>
      %convert_element_type3A_860 = arith.sitofp %add3A_853 : vector<16xi32> to vector<16xf32>
      %add3A_861 = arith.constant 5.000000e-01 : f32
      %add3A_862 = vector.broadcast %add3A_861 : f32 to vector<16xf32>
      %add3A_863 = arith.addf %convert_element_type3A_860, %add3A_862 : vector<16xf32>
      %mul3A_864 = arith.constant 6.250000e-02 : f32
      %mul3A_865 = vector.broadcast %mul3A_864 : f32 to vector<16xf32>
      %mul3A_866 = arith.mulf %add3A_863, %mul3A_865 : vector<16xf32>
      %sub3A_867 = arith.constant 1.000000e+00 : f32
      %sub3A_868 = vector.broadcast %sub3A_867 : f32 to vector<16xf32>
      %sub3A_869 = arith.subf %mul3A_866, %sub3A_868 : vector<16xf32>
      %convert_element_type3A_870 = arith.sitofp %add3A_859 : vector<16xi32> to vector<16xf32>
      %add3A_871 = arith.constant 5.000000e-01 : f32
      %add3A_872 = vector.broadcast %add3A_871 : f32 to vector<16xf32>
      %add3A_873 = arith.addf %convert_element_type3A_870, %add3A_872 : vector<16xf32>
      %mul3A_874 = arith.constant 6.250000e-02 : f32
      %mul3A_875 = vector.broadcast %mul3A_874 : f32 to vector<16xf32>
      %mul3A_876 = arith.mulf %add3A_873, %mul3A_875 : vector<16xf32>
      %sub3A_877 = arith.constant 1.000000e+00 : f32
      %sub3A_878 = vector.broadcast %sub3A_877 : f32 to vector<16xf32>
      %sub3A_879 = arith.subf %mul3A_876, %sub3A_878 : vector<16xf32>
      %convert_element_type3A_880 = arith.sitofp %min3A_433 : vector<16xi32> to vector<16xf32>
      %add3A_881 = arith.constant 5.000000e-01 : f32
      %add3A_882 = vector.broadcast %add3A_881 : f32 to vector<16xf32>
      %add3A_883 = arith.addf %convert_element_type3A_880, %add3A_882 : vector<16xf32>
      %mul3A_884 = arith.constant 6.250000e-02 : f32
      %mul3A_885 = vector.broadcast %mul3A_884 : f32 to vector<16xf32>
      %mul3A_886 = arith.mulf %add3A_883, %mul3A_885 : vector<16xf32>
      %sub3A_887 = arith.constant 1.000000e+00 : f32
      %sub3A_888 = vector.broadcast %sub3A_887 : f32 to vector<16xf32>
      %sub3A_889 = arith.subf %mul3A_886, %sub3A_888 : vector<16xf32>
      %mul3A_890 = arith.mulf %sub3A_869, %sub3A_869 : vector<16xf32>
      %mul3A_891 = arith.mulf %sub3A_879, %sub3A_879 : vector<16xf32>
      %add3A_892 = arith.addf %mul3A_890, %mul3A_891 : vector<16xf32>
      %mul3A_893 = arith.mulf %sub3A_889, %sub3A_889 : vector<16xf32>
      %add3A_894 = arith.addf %add3A_892, %mul3A_893 : vector<16xf32>
      %mul3A_895 = arith.mulf %bitcast_convert_type3A_226, %sub3A_869 : vector<16xf32>
      %mul3A_896 = arith.mulf %bitcast_convert_type3A_241, %sub3A_879 : vector<16xf32>
      %add3A_897 = arith.addf %mul3A_895, %mul3A_896 : vector<16xf32>
      %mul3A_898 = arith.mulf %bitcast_convert_type3A_256, %sub3A_889 : vector<16xf32>
      %add3A_899 = arith.addf %add3A_897, %mul3A_898 : vector<16xf32>
      %add3A_900 = arith.addf %add3A_453, %add3A_894 : vector<16xf32>
      %mul3A_901 = arith.constant 2.000000e+00 : f32
      %mul3A_902 = vector.broadcast %mul3A_901 : f32 to vector<16xf32>
      %mul3A_903 = arith.mulf %mul3A_902, %add3A_899 : vector<16xf32>
      %sub3A_904 = arith.subf %add3A_900, %mul3A_903 : vector<16xf32>
      %mul3A_905 = arith.constant 1024 : i32
      %mul3A_906 = vector.broadcast %mul3A_905 : i32 to vector<16xi32>
      %mul3A_907 = arith.muli %add3A_853, %mul3A_906 : vector<16xi32>
      %mul3A_908 = arith.constant 32 : i32
      %mul3A_909 = vector.broadcast %mul3A_908 : i32 to vector<16xi32>
      %mul3A_910 = arith.muli %add3A_859, %mul3A_909 : vector<16xi32>
      %add3A_911 = arith.addi %mul3A_907, %mul3A_910 : vector<16xi32>
      %add3A_912 = arith.addi %add3A_911, %min3A_433 : vector<16xi32>
      %lt3A_913 = arith.cmpf olt, %sub3A_904, %select_n3A_846 : vector<16xf32>
      %eq3A_914 = arith.cmpf oeq, %sub3A_904, %select_n3A_846 : vector<16xf32>
      %lt3A_915 = arith.cmpi slt, %add3A_912, %select_n3A_847 : vector<16xi32>
      %and3A_916 = arith.andi %eq3A_914, %lt3A_915 : vector<16xi1>
      %or3A_917 = arith.ori %lt3A_913, %and3A_916 : vector<16xi1>
      %select_n3A_918 = arith.select %or3A_917, %sub3A_904, %select_n3A_846 : vector<16xi1>, vector<16xf32>
      %select_n3A_919 = arith.select %or3A_917, %add3A_912, %select_n3A_847 : vector<16xi1>, vector<16xi32>
      %jit3A_920 = arith.constant 1 : i32
      %jit3A_921 = arith.constant 0 : i32
      %broadcast_in_dim3A_922 = vector.broadcast %jit3A_920 : i32 to vector<16xi32>
      %broadcast_in_dim3A_923 = vector.broadcast %jit3A_921 : i32 to vector<16xi32>
      %select_n3A_924 = arith.select %and3A_318, %broadcast_in_dim3A_922, %broadcast_in_dim3A_923 : vector<16xi1>, vector<16xi32>
      %add3A_925 = arith.addi %min3A_303, %select_n3A_924 : vector<16xi32>
      %jit3A_926 = arith.constant 1 : i32
      %jit3A_927 = arith.constant 0 : i32
      %broadcast_in_dim3A_928 = vector.broadcast %jit3A_926 : i32 to vector<16xi32>
      %broadcast_in_dim3A_929 = vector.broadcast %jit3A_927 : i32 to vector<16xi32>
      %select_n3A_930 = arith.select %and3A_383, %broadcast_in_dim3A_928, %broadcast_in_dim3A_929 : vector<16xi1>, vector<16xi32>
      %add3A_931 = arith.addi %min3A_368, %select_n3A_930 : vector<16xi32>
      %jit3A_932 = arith.constant 1 : i32
      %jit3A_933 = arith.constant 0 : i32
      %broadcast_in_dim3A_934 = vector.broadcast %jit3A_932 : i32 to vector<16xi32>
      %broadcast_in_dim3A_935 = vector.broadcast %jit3A_933 : i32 to vector<16xi32>
      %select_n3A_936 = arith.select %and3A_448, %broadcast_in_dim3A_934, %broadcast_in_dim3A_935 : vector<16xi1>, vector<16xi32>
      %add3A_937 = arith.addi %min3A_433, %select_n3A_936 : vector<16xi32>
      %convert_element_type3A_938 = arith.sitofp %add3A_925 : vector<16xi32> to vector<16xf32>
      %add3A_939 = arith.constant 5.000000e-01 : f32
      %add3A_940 = vector.broadcast %add3A_939 : f32 to vector<16xf32>
      %add3A_941 = arith.addf %convert_element_type3A_938, %add3A_940 : vector<16xf32>
      %mul3A_942 = arith.constant 6.250000e-02 : f32
      %mul3A_943 = vector.broadcast %mul3A_942 : f32 to vector<16xf32>
      %mul3A_944 = arith.mulf %add3A_941, %mul3A_943 : vector<16xf32>
      %sub3A_945 = arith.constant 1.000000e+00 : f32
      %sub3A_946 = vector.broadcast %sub3A_945 : f32 to vector<16xf32>
      %sub3A_947 = arith.subf %mul3A_944, %sub3A_946 : vector<16xf32>
      %convert_element_type3A_948 = arith.sitofp %add3A_931 : vector<16xi32> to vector<16xf32>
      %add3A_949 = arith.constant 5.000000e-01 : f32
      %add3A_950 = vector.broadcast %add3A_949 : f32 to vector<16xf32>
      %add3A_951 = arith.addf %convert_element_type3A_948, %add3A_950 : vector<16xf32>
      %mul3A_952 = arith.constant 6.250000e-02 : f32
      %mul3A_953 = vector.broadcast %mul3A_952 : f32 to vector<16xf32>
      %mul3A_954 = arith.mulf %add3A_951, %mul3A_953 : vector<16xf32>
      %sub3A_955 = arith.constant 1.000000e+00 : f32
      %sub3A_956 = vector.broadcast %sub3A_955 : f32 to vector<16xf32>
      %sub3A_957 = arith.subf %mul3A_954, %sub3A_956 : vector<16xf32>
      %convert_element_type3A_958 = arith.sitofp %add3A_937 : vector<16xi32> to vector<16xf32>
      %add3A_959 = arith.constant 5.000000e-01 : f32
      %add3A_960 = vector.broadcast %add3A_959 : f32 to vector<16xf32>
      %add3A_961 = arith.addf %convert_element_type3A_958, %add3A_960 : vector<16xf32>
      %mul3A_962 = arith.constant 6.250000e-02 : f32
      %mul3A_963 = vector.broadcast %mul3A_962 : f32 to vector<16xf32>
      %mul3A_964 = arith.mulf %add3A_961, %mul3A_963 : vector<16xf32>
      %sub3A_965 = arith.constant 1.000000e+00 : f32
      %sub3A_966 = vector.broadcast %sub3A_965 : f32 to vector<16xf32>
      %sub3A_967 = arith.subf %mul3A_964, %sub3A_966 : vector<16xf32>
      %mul3A_968 = arith.mulf %sub3A_947, %sub3A_947 : vector<16xf32>
      %mul3A_969 = arith.mulf %sub3A_957, %sub3A_957 : vector<16xf32>
      %add3A_970 = arith.addf %mul3A_968, %mul3A_969 : vector<16xf32>
      %mul3A_971 = arith.mulf %sub3A_967, %sub3A_967 : vector<16xf32>
      %add3A_972 = arith.addf %add3A_970, %mul3A_971 : vector<16xf32>
      %mul3A_973 = arith.mulf %bitcast_convert_type3A_226, %sub3A_947 : vector<16xf32>
      %mul3A_974 = arith.mulf %bitcast_convert_type3A_241, %sub3A_957 : vector<16xf32>
      %add3A_975 = arith.addf %mul3A_973, %mul3A_974 : vector<16xf32>
      %mul3A_976 = arith.mulf %bitcast_convert_type3A_256, %sub3A_967 : vector<16xf32>
      %add3A_977 = arith.addf %add3A_975, %mul3A_976 : vector<16xf32>
      %add3A_978 = arith.addf %add3A_453, %add3A_972 : vector<16xf32>
      %mul3A_979 = arith.constant 2.000000e+00 : f32
      %mul3A_980 = vector.broadcast %mul3A_979 : f32 to vector<16xf32>
      %mul3A_981 = arith.mulf %mul3A_980, %add3A_977 : vector<16xf32>
      %sub3A_982 = arith.subf %add3A_978, %mul3A_981 : vector<16xf32>
      %mul3A_983 = arith.constant 1024 : i32
      %mul3A_984 = vector.broadcast %mul3A_983 : i32 to vector<16xi32>
      %mul3A_985 = arith.muli %add3A_925, %mul3A_984 : vector<16xi32>
      %mul3A_986 = arith.constant 32 : i32
      %mul3A_987 = vector.broadcast %mul3A_986 : i32 to vector<16xi32>
      %mul3A_988 = arith.muli %add3A_931, %mul3A_987 : vector<16xi32>
      %add3A_989 = arith.addi %mul3A_985, %mul3A_988 : vector<16xi32>
      %add3A_990 = arith.addi %add3A_989, %add3A_937 : vector<16xi32>
      %lt3A_991 = arith.cmpf olt, %sub3A_982, %select_n3A_918 : vector<16xf32>
      %eq3A_992 = arith.cmpf oeq, %sub3A_982, %select_n3A_918 : vector<16xf32>
      %lt3A_993 = arith.cmpi slt, %add3A_990, %select_n3A_919 : vector<16xi32>
      %and3A_994 = arith.andi %eq3A_992, %lt3A_993 : vector<16xi1>
      %or3A_995 = arith.ori %lt3A_991, %and3A_994 : vector<16xi1>
      %select_n3A_996 = arith.select %or3A_995, %sub3A_982, %select_n3A_918 : vector<16xi1>, vector<16xf32>
      %select_n3A_997 = arith.select %or3A_995, %add3A_990, %select_n3A_919 : vector<16xi1>, vector<16xi32>
      %mul3A_998 = arith.constant 16 : i32
      %mul3A_999 = arith.muli %add3A_197, %mul3A_998 : i32
      %swap3A_1000 = arith.index_cast %mul3A_999 : i32 to index
      %swap3A_1001 = tpu.vector_load %arg6[%swap3A_1000] {strides = array<i32>} : memref<2048xi32, #tpu.memory_space<vmem>>, vector<16xi32>,
      tpu.vector_store %arg6[%swap3A_1000], %select_n3A_997 {strides = array<i32>} : memref<2048xi32, #tpu.memory_space<vmem>>, vector<16xi32>,
    }
    %scan3A_37 = arith.constant 16 : i32
    %mul3A_38 = arith.constant 16 : i32
    %mul3A_39 = arith.muli %select_n3A_28, %mul3A_38 : i32
    %mul3A_40 = arith.constant 16 : i32
    %mul3A_41 = arith.muli %mul3A_39, %mul3A_40 : i32
    %mul3A_42 = arith.constant 16 : i32
    %mul3A_43 = arith.muli %select_n3A_28, %mul3A_42 : i32
    %mul3A_44 = arith.constant 16 : i32
    %mul3A_45 = arith.muli %mul3A_43, %mul3A_44 : i32
    "tpu.region"() ({
      %run_scoped3A = tpu.sem_alloc : memref<!tpu.dma_semaphore, #tpu.memory_space<semaphore_mem>>
      %dma_start3A = tpu.memref_slice %arg6[%mul3A_41] : memref<2048xi32, #tpu.memory_space<vmem>> -> memref<256xi32, #tpu.memory_space<vmem>>
      %dma_start3A_194 = tpu.memref_slice %arg17[%select_n3A, %mul3A_45] : memref<2x2048xi32, #tpu.memory_space<vmem_shared>> -> memref<1x256xi32, #tpu.memory_space<vmem_shared>>
      %dma_start3A_195 = tpu.memref_squeeze %dma_start3A_194 : memref<1x256xi32, #tpu.memory_space<vmem_shared>> -> memref<256xi32, #tpu.memory_space<vmem_shared>>
      %dma_start3A_196 = tpu.memref_slice %arg17[%select_n3A, %mul3A_45] : memref<2x2048xi32, #tpu.memory_space<vmem_shared>> -> memref<1x256xi32, #tpu.memory_space<vmem_shared>>
      %dma_start3A_197 = tpu.memref_squeeze %dma_start3A_196 : memref<1x256xi32, #tpu.memory_space<vmem_shared>> -> memref<256xi32, #tpu.memory_space<vmem_shared>>
      %dma_start3A_198 = tpu.memref_slice %arg6[%mul3A_41] : memref<2048xi32, #tpu.memory_space<vmem>> -> memref<256xi32, #tpu.memory_space<vmem>>
      tpu.enqueue_dma source(%dma_start3A_198 : memref<256xi32, #tpu.memory_space<vmem>>) target(%dma_start3A_197 : memref<256xi32, #tpu.memory_space<vmem_shared>>) target_semaphore(%run_scoped3A : memref<!tpu.dma_semaphore, #tpu.memory_space<semaphore_mem>>)
      %dma_wait3A = tpu.memref_slice %arg6[%mul3A_41] : memref<2048xi32, #tpu.memory_space<vmem>> -> memref<256xi32, #tpu.memory_space<vmem>>
      %dma_wait3A_199 = tpu.memref_slice %arg17[%select_n3A, %mul3A_45] : memref<2x2048xi32, #tpu.memory_space<vmem_shared>> -> memref<1x256xi32, #tpu.memory_space<vmem_shared>>
      %dma_wait3A_200 = tpu.memref_squeeze %dma_wait3A_199 : memref<1x256xi32, #tpu.memory_space<vmem_shared>> -> memref<256xi32, #tpu.memory_space<vmem_shared>>
      %dma_wait3A_201 = tpu.memref_slice %arg17[%select_n3A, %mul3A_45] : memref<2x2048xi32, #tpu.memory_space<vmem_shared>> -> memref<1x256xi32, #tpu.memory_space<vmem_shared>>
      %dma_wait3A_202 = tpu.memref_squeeze %dma_wait3A_201 : memref<1x256xi32, #tpu.memory_space<vmem_shared>> -> memref<256xi32, #tpu.memory_space<vmem_shared>>
      %dma_wait3A_203 = tpu.memref_slice %arg6[%mul3A_41] : memref<2048xi32, #tpu.memory_space<vmem>> -> memref<256xi32, #tpu.memory_space<vmem>>
      tpu.wait_dma2 semaphore(%run_scoped3A : memref<!tpu.dma_semaphore, #tpu.memory_space<semaphore_mem>>) src(%dma_wait3A_203 : memref<256xi32, #tpu.memory_space<vmem>>) dst(%dma_wait3A_202 : memref<256xi32, #tpu.memory_space<vmem_shared>>)
      tpu.yield
    }) : () -> ()
    %barrier3A = arith.constant 0 : index
    tpu.barrier barrier_id(%barrier3A)
    "tpu.region"() ({
      %run_scoped3A = tpu.sem_alloc : memref<!tpu.dma_semaphore, #tpu.memory_space<semaphore_mem>>
      %dma_start3A = arith.constant 0 : i32
      %dma_start3A_194 = tpu.memref_slice %arg17[%select_n3A, %dma_start3A] : memref<2x2048xi32, #tpu.memory_space<vmem_shared>> -> memref<1x2048xi32, #tpu.memory_space<vmem_shared>>
      %dma_start3A_195 = tpu.memref_squeeze %dma_start3A_194 : memref<1x2048xi32, #tpu.memory_space<vmem_shared>> -> memref<2048xi32, #tpu.memory_space<vmem_shared>>
      %dma_start3A_196 = arith.constant 0 : i32
      %dma_start3A_197 = tpu.memref_slice %arg17[%select_n3A, %dma_start3A_196] : memref<2x2048xi32, #tpu.memory_space<vmem_shared>> -> memref<1x2048xi32, #tpu.memory_space<vmem_shared>>
      %dma_start3A_198 = tpu.memref_squeeze %dma_start3A_197 : memref<1x2048xi32, #tpu.memory_space<vmem_shared>> -> memref<2048xi32, #tpu.memory_space<vmem_shared>>
      tpu.enqueue_dma source(%dma_start3A_198 : memref<2048xi32, #tpu.memory_space<vmem_shared>>) target(%arg6 : memref<2048xi32, #tpu.memory_space<vmem>>) target_semaphore(%run_scoped3A : memref<!tpu.dma_semaphore, #tpu.memory_space<semaphore_mem>>)
      %dma_wait3A = arith.constant 0 : i32
      %dma_wait3A_199 = tpu.memref_slice %arg17[%select_n3A, %dma_wait3A] : memref<2x2048xi32, #tpu.memory_space<vmem_shared>> -> memref<1x2048xi32, #tpu.memory_space<vmem_shared>>
      %dma_wait3A_200 = tpu.memref_squeeze %dma_wait3A_199 : memref<1x2048xi32, #tpu.memory_space<vmem_shared>> -> memref<2048xi32, #tpu.memory_space<vmem_shared>>
      %dma_wait3A_201 = arith.constant 0 : i32
      %dma_wait3A_202 = tpu.memref_slice %arg17[%select_n3A, %dma_wait3A_201] : memref<2x2048xi32, #tpu.memory_space<vmem_shared>> -> memref<1x2048xi32, #tpu.memory_space<vmem_shared>>
      %dma_wait3A_203 = tpu.memref_squeeze %dma_wait3A_202 : memref<1x2048xi32, #tpu.memory_space<vmem_shared>> -> memref<2048xi32, #tpu.memory_space<vmem_shared>>
      tpu.wait_dma2 semaphore(%run_scoped3A : memref<!tpu.dma_semaphore, #tpu.memory_space<semaphore_mem>>) src(%dma_wait3A_203 : memref<2048xi32, #tpu.memory_space<vmem_shared>>) dst(%arg6 : memref<2048xi32, #tpu.memory_space<vmem>>)
      tpu.yield
    }) : () -> ()
    %scan3A_46 = arith.constant 0 : i32
    %scan3A_47 = arith.constant 0 : i32
    %scan3A_48 = arith.constant 256 : i32
    %scan3A_49 = arith.addi %scan3A_47, %scan3A_48 : i32
    %scan3A_50 = arith.constant 1 : i32
    scf.for %scan3A_194 = %scan3A_47 to %scan3A_49 step %scan3A_50  : i32 {
      %broadcast_in_dim3A_195 = arith.constant 0 : i32
      %broadcast_in_dim3A_196 = vector.broadcast %broadcast_in_dim3A_195 : i32 to vector<16xi32>
      %mul3A_197 = arith.constant 16 : i32
      %mul3A_198 = arith.muli %scan3A_194, %mul3A_197 : i32
      %swap3A_199 = arith.constant 0 : i32
      %swap3A_200 = arith.index_cast %swap3A_199 : i32 to index
      %swap3A_201 = arith.index_cast %mul3A_198 : i32 to index
      %swap3A_202 = tpu.vector_load %arg7[%swap3A_200, %swap3A_201] {strides = array<i32>} : memref<4x4096xi32, #tpu.memory_space<vmem>>, vector<16xi32>,
      tpu.vector_store %arg7[%swap3A_200, %swap3A_201], %broadcast_in_dim3A_196 {strides = array<i32>} : memref<4x4096xi32, #tpu.memory_space<vmem>>, vector<16xi32>,
      %broadcast_in_dim3A_203 = arith.constant 0 : i32
      %broadcast_in_dim3A_204 = vector.broadcast %broadcast_in_dim3A_203 : i32 to vector<16xi32>
      %mul3A_205 = arith.constant 16 : i32
      %mul3A_206 = arith.muli %scan3A_194, %mul3A_205 : i32
      %swap3A_207 = arith.constant 1 : i32
      %swap3A_208 = arith.index_cast %swap3A_207 : i32 to index
      %swap3A_209 = arith.index_cast %mul3A_206 : i32 to index
      %swap3A_210 = tpu.vector_load %arg7[%swap3A_208, %swap3A_209] {strides = array<i32>} : memref<4x4096xi32, #tpu.memory_space<vmem>>, vector<16xi32>,
      tpu.vector_store %arg7[%swap3A_208, %swap3A_209], %broadcast_in_dim3A_204 {strides = array<i32>} : memref<4x4096xi32, #tpu.memory_space<vmem>>, vector<16xi32>,
      %broadcast_in_dim3A_211 = arith.constant 0 : i32
      %broadcast_in_dim3A_212 = vector.broadcast %broadcast_in_dim3A_211 : i32 to vector<16xi32>
      %mul3A_213 = arith.constant 16 : i32
      %mul3A_214 = arith.muli %scan3A_194, %mul3A_213 : i32
      %swap3A_215 = arith.constant 2 : i32
      %swap3A_216 = arith.index_cast %swap3A_215 : i32 to index
      %swap3A_217 = arith.index_cast %mul3A_214 : i32 to index
      %swap3A_218 = tpu.vector_load %arg7[%swap3A_216, %swap3A_217] {strides = array<i32>} : memref<4x4096xi32, #tpu.memory_space<vmem>>, vector<16xi32>,
      tpu.vector_store %arg7[%swap3A_216, %swap3A_217], %broadcast_in_dim3A_212 {strides = array<i32>} : memref<4x4096xi32, #tpu.memory_space<vmem>>, vector<16xi32>,
      %broadcast_in_dim3A_219 = arith.constant 0 : i32
      %broadcast_in_dim3A_220 = vector.broadcast %broadcast_in_dim3A_219 : i32 to vector<16xi32>
      %mul3A_221 = arith.constant 16 : i32
      %mul3A_222 = arith.muli %scan3A_194, %mul3A_221 : i32
      %swap3A_223 = arith.constant 3 : i32
      %swap3A_224 = arith.index_cast %swap3A_223 : i32 to index
      %swap3A_225 = arith.index_cast %mul3A_222 : i32 to index
      %swap3A_226 = tpu.vector_load %arg7[%swap3A_224, %swap3A_225] {strides = array<i32>} : memref<4x4096xi32, #tpu.memory_space<vmem>>, vector<16xi32>,
      tpu.vector_store %arg7[%swap3A_224, %swap3A_225], %broadcast_in_dim3A_220 {strides = array<i32>} : memref<4x4096xi32, #tpu.memory_space<vmem>>, vector<16xi32>,
    }
    %scan3A_51 = arith.constant 256 : i32
    %scan3A_52 = arith.constant 0 : i32
    %scan3A_53 = arith.constant 0 : i32
    %scan3A_54 = arith.constant 16 : i32
    %scan3A_55 = arith.addi %scan3A_53, %scan3A_54 : i32
    %scan3A_56 = arith.constant 1 : i32
    scf.for %scan3A_194 = %scan3A_53 to %scan3A_55 step %scan3A_56  : i32 {
      %broadcast_in_dim3A_195 = arith.constant 0 : i32
      %broadcast_in_dim3A_196 = vector.broadcast %broadcast_in_dim3A_195 : i32 to vector<16xi32>
      %mul3A_197 = arith.constant 16 : i32
      %mul3A_198 = arith.muli %scan3A_194, %mul3A_197 : i32
      %swap3A_199 = arith.constant 0 : i32
      %swap3A_200 = arith.index_cast %swap3A_199 : i32 to index
      %swap3A_201 = arith.index_cast %mul3A_198 : i32 to index
      %swap3A_202 = tpu.vector_load %arg12[%swap3A_200, %swap3A_201] {strides = array<i32>} : memref<4x256xi32, #tpu.memory_space<vmem>>, vector<16xi32>,
      tpu.vector_store %arg12[%swap3A_200, %swap3A_201], %broadcast_in_dim3A_196 {strides = array<i32>} : memref<4x256xi32, #tpu.memory_space<vmem>>, vector<16xi32>,
      %broadcast_in_dim3A_203 = arith.constant 0 : i32
      %broadcast_in_dim3A_204 = vector.broadcast %broadcast_in_dim3A_203 : i32 to vector<16xi32>
      %mul3A_205 = arith.constant 16 : i32
      %mul3A_206 = arith.muli %scan3A_194, %mul3A_205 : i32
      %swap3A_207 = arith.constant 1 : i32
      %swap3A_208 = arith.index_cast %swap3A_207 : i32 to index
      %swap3A_209 = arith.index_cast %mul3A_206 : i32 to index
      %swap3A_210 = tpu.vector_load %arg12[%swap3A_208, %swap3A_209] {strides = array<i32>} : memref<4x256xi32, #tpu.memory_space<vmem>>, vector<16xi32>,
      tpu.vector_store %arg12[%swap3A_208, %swap3A_209], %broadcast_in_dim3A_204 {strides = array<i32>} : memref<4x256xi32, #tpu.memory_space<vmem>>, vector<16xi32>,
      %broadcast_in_dim3A_211 = arith.constant 0 : i32
      %broadcast_in_dim3A_212 = vector.broadcast %broadcast_in_dim3A_211 : i32 to vector<16xi32>
      %mul3A_213 = arith.constant 16 : i32
      %mul3A_214 = arith.muli %scan3A_194, %mul3A_213 : i32
      %swap3A_215 = arith.constant 2 : i32
      %swap3A_216 = arith.index_cast %swap3A_215 : i32 to index
      %swap3A_217 = arith.index_cast %mul3A_214 : i32 to index
      %swap3A_218 = tpu.vector_load %arg12[%swap3A_216, %swap3A_217] {strides = array<i32>} : memref<4x256xi32, #tpu.memory_space<vmem>>, vector<16xi32>,
      tpu.vector_store %arg12[%swap3A_216, %swap3A_217], %broadcast_in_dim3A_212 {strides = array<i32>} : memref<4x256xi32, #tpu.memory_space<vmem>>, vector<16xi32>,
      %broadcast_in_dim3A_219 = arith.constant 0 : i32
      %broadcast_in_dim3A_220 = vector.broadcast %broadcast_in_dim3A_219 : i32 to vector<16xi32>
      %mul3A_221 = arith.constant 16 : i32
      %mul3A_222 = arith.muli %scan3A_194, %mul3A_221 : i32
      %swap3A_223 = arith.constant 3 : i32
      %swap3A_224 = arith.index_cast %swap3A_223 : i32 to index
      %swap3A_225 = arith.index_cast %mul3A_222 : i32 to index
      %swap3A_226 = tpu.vector_load %arg12[%swap3A_224, %swap3A_225] {strides = array<i32>} : memref<4x256xi32, #tpu.memory_space<vmem>>, vector<16xi32>,
      tpu.vector_store %arg12[%swap3A_224, %swap3A_225], %broadcast_in_dim3A_220 {strides = array<i32>} : memref<4x256xi32, #tpu.memory_space<vmem>>, vector<16xi32>,
    }
    %scan3A_57 = arith.constant 16 : i32
    %scan3A_58 = arith.constant 0 : i32
    %scan3A_59 = arith.constant 0 : i32
    %scan3A_60 = arith.constant 128 : i32
    %scan3A_61 = arith.addi %scan3A_59, %scan3A_60 : i32
    %scan3A_62 = arith.constant 1 : i32
    scf.for %scan3A_194 = %scan3A_59 to %scan3A_61 step %scan3A_62  : i32 {
      %broadcast_in_dim3A_195 = arith.constant 0 : i32
      %broadcast_in_dim3A_196 = vector.broadcast %broadcast_in_dim3A_195 : i32 to vector<16xi32>
      %mul3A_197 = arith.constant 16 : i32
      %mul3A_198 = arith.muli %scan3A_194, %mul3A_197 : i32
      %swap3A_199 = arith.index_cast %mul3A_198 : i32 to index
      %swap3A_200 = tpu.vector_load %arg11[%swap3A_199] {strides = array<i32>} : memref<2048xi32, #tpu.memory_space<vmem>>, vector<16xi32>,
      tpu.vector_store %arg11[%swap3A_199], %broadcast_in_dim3A_196 {strides = array<i32>} : memref<2048xi32, #tpu.memory_space<vmem>>, vector<16xi32>,
    }
    %scan3A_63 = arith.constant 128 : i32
    %scan3A_64 = arith.constant 0 : i32
    %scan3A_65 = arith.constant 0 : i32
    %scan3A_66 = arith.constant 128 : i32
    %scan3A_67 = arith.addi %scan3A_65, %scan3A_66 : i32
    %scan3A_68 = arith.constant 1 : i32
    scf.for %scan3A_194 = %scan3A_65 to %scan3A_67 step %scan3A_68  : i32 {
      %iota3A = tpu.iota {dimensions = array<i32: 0>} : vector<16xi32>
      %broadcast_in_dim3A_195 = arith.constant 1 : i32
      %broadcast_in_dim3A_196 = vector.broadcast %broadcast_in_dim3A_195 : i32 to vector<16xi32>
      %mul3A_197 = arith.constant 16 : i32
      %mul3A_198 = arith.muli %scan3A_194, %mul3A_197 : i32
      %get3A_199 = arith.index_cast %mul3A_198 : i32 to index
      %get3A_200 = tpu.vector_load %arg6[%get3A_199] {strides = array<i32>} : memref<2048xi32, #tpu.memory_space<vmem>>, vector<16xi32>,
      %sub3A_201 = vector.broadcast %mul3A_32 : i32 to vector<16xi32>
      %sub3A_202 = arith.subi %get3A_200, %sub3A_201 : vector<16xi32>
      %max3A = arith.constant 0 : i32
      %max3A_203 = vector.broadcast %max3A : i32 to vector<16xi32>
      %max3A_204 = arith.maxsi %sub3A_202, %max3A_203 : vector<16xi32>
      %min3A = arith.constant 4095 : i32
      %min3A_205 = vector.broadcast %min3A : i32 to vector<16xi32>
      %min3A_206 = arith.minsi %max3A_204, %min3A_205 : vector<16xi32>
      %ge3A = vector.broadcast %mul3A_32 : i32 to vector<16xi32>
      %ge3A_207 = arith.cmpi sge, %get3A_200, %ge3A : vector<16xi32>
      %add3A_208 = arith.constant 4096 : i32
      %add3A_209 = arith.addi %mul3A_32, %add3A_208 : i32
      %lt3A_210 = vector.broadcast %add3A_209 : i32 to vector<16xi32>
      %lt3A_211 = arith.cmpi slt, %get3A_200, %lt3A_210 : vector<16xi32>
      %and3A_212 = arith.andi %ge3A_207, %lt3A_211 : vector<16xi1>
      %shift_right_logical3A = arith.constant 4 : i32
      %shift_right_logical3A_213 = vector.broadcast %shift_right_logical3A : i32 to vector<16xi32>
      %shift_right_logical3A_214 = arith.shrui %min3A_206, %shift_right_logical3A_213 : vector<16xi32>
      %ge3A_215 = arith.constant 0 : i32
      %ge3A_216 = vector.broadcast %ge3A_215 : i32 to vector<16xi32>
      %ge3A_217 = arith.cmpi sge, %iota3A, %ge3A_216 : vector<16xi32>
      %lt3A_218 = arith.constant 4 : i32
      %lt3A_219 = vector.broadcast %lt3A_218 : i32 to vector<16xi32>
      %lt3A_220 = arith.cmpi slt, %iota3A, %lt3A_219 : vector<16xi32>
      %and3A_221 = arith.andi %ge3A_217, %lt3A_220 : vector<16xi1>
      %and3A_222 = arith.andi %and3A_212, %and3A_221 : vector<16xi1>
      %sub3A_223 = arith.constant 0 : i32
      %sub3A_224 = vector.broadcast %sub3A_223 : i32 to vector<16xi32>
      %sub3A_225 = arith.subi %iota3A, %sub3A_224 : vector<16xi32>
      %max3A_226 = arith.constant 0 : i32
      %max3A_227 = vector.broadcast %max3A_226 : i32 to vector<16xi32>
      %max3A_228 = arith.maxsi %sub3A_225, %max3A_227 : vector<16xi32>
      %min3A_229 = arith.constant 3 : i32
      %min3A_230 = vector.broadcast %min3A_229 : i32 to vector<16xi32>
      %min3A_231 = arith.minsi %max3A_228, %min3A_230 : vector<16xi32>
      tpu.vector_store_idx %arg7[%min3A_231, %min3A_206], %broadcast_in_dim3A_196 masked %and3A_222 {add = true} : memref<4x4096xi32, #tpu.memory_space<vmem>>[vector<16xi32>, vector<16xi32>], vector<16xi32>, vector<16xi1>
      tpu.vector_store_idx %arg12[%min3A_231, %shift_right_logical3A_214], %broadcast_in_dim3A_196 masked %and3A_222 {add = true} : memref<4x256xi32, #tpu.memory_space<vmem>>[vector<16xi32>, vector<16xi32>], vector<16xi32>, vector<16xi1>
      %ge3A_232 = arith.constant 4 : i32
      %ge3A_233 = vector.broadcast %ge3A_232 : i32 to vector<16xi32>
      %ge3A_234 = arith.cmpi sge, %iota3A, %ge3A_233 : vector<16xi32>
      %lt3A_235 = arith.constant 8 : i32
      %lt3A_236 = vector.broadcast %lt3A_235 : i32 to vector<16xi32>
      %lt3A_237 = arith.cmpi slt, %iota3A, %lt3A_236 : vector<16xi32>
      %and3A_238 = arith.andi %ge3A_234, %lt3A_237 : vector<16xi1>
      %and3A_239 = arith.andi %and3A_212, %and3A_238 : vector<16xi1>
      %sub3A_240 = arith.constant 4 : i32
      %sub3A_241 = vector.broadcast %sub3A_240 : i32 to vector<16xi32>
      %sub3A_242 = arith.subi %iota3A, %sub3A_241 : vector<16xi32>
      %max3A_243 = arith.constant 0 : i32
      %max3A_244 = vector.broadcast %max3A_243 : i32 to vector<16xi32>
      %max3A_245 = arith.maxsi %sub3A_242, %max3A_244 : vector<16xi32>
      %min3A_246 = arith.constant 3 : i32
      %min3A_247 = vector.broadcast %min3A_246 : i32 to vector<16xi32>
      %min3A_248 = arith.minsi %max3A_245, %min3A_247 : vector<16xi32>
      tpu.vector_store_idx %arg7[%min3A_248, %min3A_206], %broadcast_in_dim3A_196 masked %and3A_239 {add = true} : memref<4x4096xi32, #tpu.memory_space<vmem>>[vector<16xi32>, vector<16xi32>], vector<16xi32>, vector<16xi1>
      tpu.vector_store_idx %arg12[%min3A_248, %shift_right_logical3A_214], %broadcast_in_dim3A_196 masked %and3A_239 {add = true} : memref<4x256xi32, #tpu.memory_space<vmem>>[vector<16xi32>, vector<16xi32>], vector<16xi32>, vector<16xi1>
      %ge3A_249 = arith.constant 8 : i32
      %ge3A_250 = vector.broadcast %ge3A_249 : i32 to vector<16xi32>
      %ge3A_251 = arith.cmpi sge, %iota3A, %ge3A_250 : vector<16xi32>
      %lt3A_252 = arith.constant 12 : i32
      %lt3A_253 = vector.broadcast %lt3A_252 : i32 to vector<16xi32>
      %lt3A_254 = arith.cmpi slt, %iota3A, %lt3A_253 : vector<16xi32>
      %and3A_255 = arith.andi %ge3A_251, %lt3A_254 : vector<16xi1>
      %and3A_256 = arith.andi %and3A_212, %and3A_255 : vector<16xi1>
      %sub3A_257 = arith.constant 8 : i32
      %sub3A_258 = vector.broadcast %sub3A_257 : i32 to vector<16xi32>
      %sub3A_259 = arith.subi %iota3A, %sub3A_258 : vector<16xi32>
      %max3A_260 = arith.constant 0 : i32
      %max3A_261 = vector.broadcast %max3A_260 : i32 to vector<16xi32>
      %max3A_262 = arith.maxsi %sub3A_259, %max3A_261 : vector<16xi32>
      %min3A_263 = arith.constant 3 : i32
      %min3A_264 = vector.broadcast %min3A_263 : i32 to vector<16xi32>
      %min3A_265 = arith.minsi %max3A_262, %min3A_264 : vector<16xi32>
      tpu.vector_store_idx %arg7[%min3A_265, %min3A_206], %broadcast_in_dim3A_196 masked %and3A_256 {add = true} : memref<4x4096xi32, #tpu.memory_space<vmem>>[vector<16xi32>, vector<16xi32>], vector<16xi32>, vector<16xi1>
      tpu.vector_store_idx %arg12[%min3A_265, %shift_right_logical3A_214], %broadcast_in_dim3A_196 masked %and3A_256 {add = true} : memref<4x256xi32, #tpu.memory_space<vmem>>[vector<16xi32>, vector<16xi32>], vector<16xi32>, vector<16xi1>
      %ge3A_266 = arith.constant 12 : i32
      %ge3A_267 = vector.broadcast %ge3A_266 : i32 to vector<16xi32>
      %ge3A_268 = arith.cmpi sge, %iota3A, %ge3A_267 : vector<16xi32>
      %lt3A_269 = arith.constant 16 : i32
      %lt3A_270 = vector.broadcast %lt3A_269 : i32 to vector<16xi32>
      %lt3A_271 = arith.cmpi slt, %iota3A, %lt3A_270 : vector<16xi32>
      %and3A_272 = arith.andi %ge3A_268, %lt3A_271 : vector<16xi1>
      %and3A_273 = arith.andi %and3A_212, %and3A_272 : vector<16xi1>
      %sub3A_274 = arith.constant 12 : i32
      %sub3A_275 = vector.broadcast %sub3A_274 : i32 to vector<16xi32>
      %sub3A_276 = arith.subi %iota3A, %sub3A_275 : vector<16xi32>
      %max3A_277 = arith.constant 0 : i32
      %max3A_278 = vector.broadcast %max3A_277 : i32 to vector<16xi32>
      %max3A_279 = arith.maxsi %sub3A_276, %max3A_278 : vector<16xi32>
      %min3A_280 = arith.constant 3 : i32
      %min3A_281 = vector.broadcast %min3A_280 : i32 to vector<16xi32>
      %min3A_282 = arith.minsi %max3A_279, %min3A_281 : vector<16xi32>
      tpu.vector_store_idx %arg7[%min3A_282, %min3A_206], %broadcast_in_dim3A_196 masked %and3A_273 {add = true} : memref<4x4096xi32, #tpu.memory_space<vmem>>[vector<16xi32>, vector<16xi32>], vector<16xi32>, vector<16xi1>
      tpu.vector_store_idx %arg12[%min3A_282, %shift_right_logical3A_214], %broadcast_in_dim3A_196 masked %and3A_273 {add = true} : memref<4x256xi32, #tpu.memory_space<vmem>>[vector<16xi32>, vector<16xi32>], vector<16xi32>, vector<16xi1>
    }
    %scan3A_69 = arith.constant 128 : i32
    %scan3A_70 = arith.constant 0 : i32
    %scan3A_71 = arith.constant 0 : i32
    %scan3A_72 = arith.constant 16 : i32
    %scan3A_73 = arith.addi %scan3A_71, %scan3A_72 : i32
    %scan3A_74 = arith.constant 1 : i32
    %scan3A_75 = scf.for %scan3A_194 = %scan3A_71 to %scan3A_73 step %scan3A_74 iter_args(%scan3A_195 = %scan3A_70) -> (i32)  : i32 {
      %iota3A = tpu.iota {dimensions = array<i32: 0>} : vector<16xi32>
      %mul3A_196 = arith.constant 16 : i32
      %mul3A_197 = arith.muli %scan3A_194, %mul3A_196 : i32
      %get3A_198 = arith.constant 0 : i32
      %get3A_199 = arith.index_cast %get3A_198 : i32 to index
      %get3A_200 = arith.index_cast %mul3A_197 : i32 to index
      %get3A_201 = tpu.vector_load %arg12[%get3A_199, %get3A_200] {strides = array<i32>} : memref<4x256xi32, #tpu.memory_space<vmem>>, vector<16xi32>,
      %mul3A_202 = arith.constant 16 : i32
      %mul3A_203 = arith.muli %scan3A_194, %mul3A_202 : i32
      %get3A_204 = arith.constant 1 : i32
      %get3A_205 = arith.index_cast %get3A_204 : i32 to index
      %get3A_206 = arith.index_cast %mul3A_203 : i32 to index
      %get3A_207 = tpu.vector_load %arg12[%get3A_205, %get3A_206] {strides = array<i32>} : memref<4x256xi32, #tpu.memory_space<vmem>>, vector<16xi32>,
      %add3A_208 = arith.addi %get3A_201, %get3A_207 : vector<16xi32>
      %mul3A_209 = arith.constant 16 : i32
      %mul3A_210 = arith.muli %scan3A_194, %mul3A_209 : i32
      %get3A_211 = arith.constant 2 : i32
      %get3A_212 = arith.index_cast %get3A_211 : i32 to index
      %get3A_213 = arith.index_cast %mul3A_210 : i32 to index
      %get3A_214 = tpu.vector_load %arg12[%get3A_212, %get3A_213] {strides = array<i32>} : memref<4x256xi32, #tpu.memory_space<vmem>>, vector<16xi32>,
      %mul3A_215 = arith.constant 16 : i32
      %mul3A_216 = arith.muli %scan3A_194, %mul3A_215 : i32
      %get3A_217 = arith.constant 3 : i32
      %get3A_218 = arith.index_cast %get3A_217 : i32 to index
      %get3A_219 = arith.index_cast %mul3A_216 : i32 to index
      %get3A_220 = tpu.vector_load %arg12[%get3A_218, %get3A_219] {strides = array<i32>} : memref<4x256xi32, #tpu.memory_space<vmem>>, vector<16xi32>,
      %add3A_221 = arith.addi %get3A_214, %get3A_220 : vector<16xi32>
      %add3A_222 = arith.addi %add3A_208, %add3A_221 : vector<16xi32>
      %broadcast_in_dim3A_223 = arith.constant true
      %broadcast_in_dim3A_224 = vector.broadcast %broadcast_in_dim3A_223 : i1 to vector<16xi1>
      %masked_cumsum3A = tpu.scan <sum>, %add3A_222 masked %broadcast_in_dim3A_224 : vector<16xi32>, vector<16xi1> -> vector<16xi32>
      %add3A_225 = vector.broadcast %scan3A_195 : i32 to vector<16xi32>
      %add3A_226 = arith.addi %masked_cumsum3A, %add3A_225 : vector<16xi32>
      %sub3A_227 = arith.subi %add3A_226, %add3A_222 : vector<16xi32>
      %mul3A_228 = arith.constant 16 : i32
      %mul3A_229 = arith.muli %scan3A_194, %mul3A_228 : i32
      %add3A_230 = vector.broadcast %mul3A_229 : i32 to vector<16xi32>
      %add3A_231 = arith.addi %add3A_230, %iota3A : vector<16xi32>
      %mul3A_232 = arith.constant 16 : i32
      %mul3A_233 = vector.broadcast %mul3A_232 : i32 to vector<16xi32>
      %mul3A_234 = arith.muli %add3A_231, %mul3A_233 : vector<16xi32>
      %add3A_235 = arith.constant 0 : i32
      %add3A_236 = vector.broadcast %add3A_235 : i32 to vector<16xi32>
      %add3A_237 = arith.addi %mul3A_234, %add3A_236 : vector<16xi32>
      tpu.vector_store_idx %arg13[%add3A_237], %sub3A_227 : memref<4096xi32, #tpu.memory_space<vmem>>[vector<16xi32>], vector<16xi32>,
      %add3A_238 = arith.constant 1 : i32
      %add3A_239 = vector.broadcast %add3A_238 : i32 to vector<16xi32>
      %add3A_240 = arith.addi %mul3A_234, %add3A_239 : vector<16xi32>
      tpu.vector_store_idx %arg13[%add3A_240], %sub3A_227 : memref<4096xi32, #tpu.memory_space<vmem>>[vector<16xi32>], vector<16xi32>,
      %add3A_241 = arith.constant 2 : i32
      %add3A_242 = vector.broadcast %add3A_241 : i32 to vector<16xi32>
      %add3A_243 = arith.addi %mul3A_234, %add3A_242 : vector<16xi32>
      tpu.vector_store_idx %arg13[%add3A_243], %sub3A_227 : memref<4096xi32, #tpu.memory_space<vmem>>[vector<16xi32>], vector<16xi32>,
      %add3A_244 = arith.constant 3 : i32
      %add3A_245 = vector.broadcast %add3A_244 : i32 to vector<16xi32>
      %add3A_246 = arith.addi %mul3A_234, %add3A_245 : vector<16xi32>
      tpu.vector_store_idx %arg13[%add3A_246], %sub3A_227 : memref<4096xi32, #tpu.memory_space<vmem>>[vector<16xi32>], vector<16xi32>,
      %add3A_247 = arith.constant 4 : i32
      %add3A_248 = vector.broadcast %add3A_247 : i32 to vector<16xi32>
      %add3A_249 = arith.addi %mul3A_234, %add3A_248 : vector<16xi32>
      tpu.vector_store_idx %arg13[%add3A_249], %sub3A_227 : memref<4096xi32, #tpu.memory_space<vmem>>[vector<16xi32>], vector<16xi32>,
      %add3A_250 = arith.constant 5 : i32
      %add3A_251 = vector.broadcast %add3A_250 : i32 to vector<16xi32>
      %add3A_252 = arith.addi %mul3A_234, %add3A_251 : vector<16xi32>
      tpu.vector_store_idx %arg13[%add3A_252], %sub3A_227 : memref<4096xi32, #tpu.memory_space<vmem>>[vector<16xi32>], vector<16xi32>,
      %add3A_253 = arith.constant 6 : i32
      %add3A_254 = vector.broadcast %add3A_253 : i32 to vector<16xi32>
      %add3A_255 = arith.addi %mul3A_234, %add3A_254 : vector<16xi32>
      tpu.vector_store_idx %arg13[%add3A_255], %sub3A_227 : memref<4096xi32, #tpu.memory_space<vmem>>[vector<16xi32>], vector<16xi32>,
      %add3A_256 = arith.constant 7 : i32
      %add3A_257 = vector.broadcast %add3A_256 : i32 to vector<16xi32>
      %add3A_258 = arith.addi %mul3A_234, %add3A_257 : vector<16xi32>
      tpu.vector_store_idx %arg13[%add3A_258], %sub3A_227 : memref<4096xi32, #tpu.memory_space<vmem>>[vector<16xi32>], vector<16xi32>,
      %add3A_259 = arith.constant 8 : i32
      %add3A_260 = vector.broadcast %add3A_259 : i32 to vector<16xi32>
      %add3A_261 = arith.addi %mul3A_234, %add3A_260 : vector<16xi32>
      tpu.vector_store_idx %arg13[%add3A_261], %sub3A_227 : memref<4096xi32, #tpu.memory_space<vmem>>[vector<16xi32>], vector<16xi32>,
      %add3A_262 = arith.constant 9 : i32
      %add3A_263 = vector.broadcast %add3A_262 : i32 to vector<16xi32>
      %add3A_264 = arith.addi %mul3A_234, %add3A_263 : vector<16xi32>
      tpu.vector_store_idx %arg13[%add3A_264], %sub3A_227 : memref<4096xi32, #tpu.memory_space<vmem>>[vector<16xi32>], vector<16xi32>,
      %add3A_265 = arith.constant 10 : i32
      %add3A_266 = vector.broadcast %add3A_265 : i32 to vector<16xi32>
      %add3A_267 = arith.addi %mul3A_234, %add3A_266 : vector<16xi32>
      tpu.vector_store_idx %arg13[%add3A_267], %sub3A_227 : memref<4096xi32, #tpu.memory_space<vmem>>[vector<16xi32>], vector<16xi32>,
      %add3A_268 = arith.constant 11 : i32
      %add3A_269 = vector.broadcast %add3A_268 : i32 to vector<16xi32>
      %add3A_270 = arith.addi %mul3A_234, %add3A_269 : vector<16xi32>
      tpu.vector_store_idx %arg13[%add3A_270], %sub3A_227 : memref<4096xi32, #tpu.memory_space<vmem>>[vector<16xi32>], vector<16xi32>,
      %add3A_271 = arith.constant 12 : i32
      %add3A_272 = vector.broadcast %add3A_271 : i32 to vector<16xi32>
      %add3A_273 = arith.addi %mul3A_234, %add3A_272 : vector<16xi32>
      tpu.vector_store_idx %arg13[%add3A_273], %sub3A_227 : memref<4096xi32, #tpu.memory_space<vmem>>[vector<16xi32>], vector<16xi32>,
      %add3A_274 = arith.constant 13 : i32
      %add3A_275 = vector.broadcast %add3A_274 : i32 to vector<16xi32>
      %add3A_276 = arith.addi %mul3A_234, %add3A_275 : vector<16xi32>
      tpu.vector_store_idx %arg13[%add3A_276], %sub3A_227 : memref<4096xi32, #tpu.memory_space<vmem>>[vector<16xi32>], vector<16xi32>,
      %add3A_277 = arith.constant 14 : i32
      %add3A_278 = vector.broadcast %add3A_277 : i32 to vector<16xi32>
      %add3A_279 = arith.addi %mul3A_234, %add3A_278 : vector<16xi32>
      tpu.vector_store_idx %arg13[%add3A_279], %sub3A_227 : memref<4096xi32, #tpu.memory_space<vmem>>[vector<16xi32>], vector<16xi32>,
      %add3A_280 = arith.constant 15 : i32
      %add3A_281 = vector.broadcast %add3A_280 : i32 to vector<16xi32>
      %add3A_282 = arith.addi %mul3A_234, %add3A_281 : vector<16xi32>
      tpu.vector_store_idx %arg13[%add3A_282], %sub3A_227 : memref<4096xi32, #tpu.memory_space<vmem>>[vector<16xi32>], vector<16xi32>,
      %reduce_max3A = arith.constant true
      %reduce_max3A_283 = vector.broadcast %reduce_max3A : i1 to vector<16xi1>
      %reduce_max3A_284 = arith.constant -2147483648 : i32
      %reduce_max3A_285 = vector.broadcast %reduce_max3A_284 : i32 to vector<16xi32>
      %reduce_max3A_286 = arith.xori %add3A_226, %reduce_max3A_285 : vector<16xi32>
      %reduce_max3A_287 = tpu.scan <max>, %reduce_max3A_286 masked %reduce_max3A_283 : vector<16xi32>, vector<16xi1> -> vector<16xi32>
      %reduce_max3A_288 = arith.xori %reduce_max3A_287, %reduce_max3A_285 : vector<16xi32>
      %reduce_max3A_289 = vector.extract %reduce_max3A_288[15] : i32 from vector<16xi32>
      scf.yield %reduce_max3A_289 : i32
    }
    %scan3A_76 = arith.constant 16 : i32
    %scan3A_77 = arith.constant 0 : i32
    %scan3A_78 = arith.constant 0 : i32
    %scan3A_79 = arith.constant 256 : i32
    %scan3A_80 = arith.addi %scan3A_78, %scan3A_79 : i32
    %scan3A_81 = arith.constant 1 : i32
    scf.for %scan3A_194 = %scan3A_78 to %scan3A_80 step %scan3A_81  : i32 {
      %mul3A_195 = arith.constant 16 : i32
      %mul3A_196 = arith.muli %scan3A_194, %mul3A_195 : i32
      %get3A_197 = arith.constant 0 : i32
      %get3A_198 = arith.index_cast %get3A_197 : i32 to index
      %get3A_199 = arith.index_cast %mul3A_196 : i32 to index
      %get3A_200 = tpu.vector_load %arg7[%get3A_198, %get3A_199] {strides = array<i32>} : memref<4x4096xi32, #tpu.memory_space<vmem>>, vector<16xi32>,
      %mul3A_201 = arith.constant 16 : i32
      %mul3A_202 = arith.muli %scan3A_194, %mul3A_201 : i32
      %get3A_203 = arith.constant 1 : i32
      %get3A_204 = arith.index_cast %get3A_203 : i32 to index
      %get3A_205 = arith.index_cast %mul3A_202 : i32 to index
      %get3A_206 = tpu.vector_load %arg7[%get3A_204, %get3A_205] {strides = array<i32>} : memref<4x4096xi32, #tpu.memory_space<vmem>>, vector<16xi32>,
      %add3A_207 = arith.addi %get3A_200, %get3A_206 : vector<16xi32>
      %mul3A_208 = arith.constant 16 : i32
      %mul3A_209 = arith.muli %scan3A_194, %mul3A_208 : i32
      %get3A_210 = arith.constant 2 : i32
      %get3A_211 = arith.index_cast %get3A_210 : i32 to index
      %get3A_212 = arith.index_cast %mul3A_209 : i32 to index
      %get3A_213 = tpu.vector_load %arg7[%get3A_211, %get3A_212] {strides = array<i32>} : memref<4x4096xi32, #tpu.memory_space<vmem>>, vector<16xi32>,
      %mul3A_214 = arith.constant 16 : i32
      %mul3A_215 = arith.muli %scan3A_194, %mul3A_214 : i32
      %get3A_216 = arith.constant 3 : i32
      %get3A_217 = arith.index_cast %get3A_216 : i32 to index
      %get3A_218 = arith.index_cast %mul3A_215 : i32 to index
      %get3A_219 = tpu.vector_load %arg7[%get3A_217, %get3A_218] {strides = array<i32>} : memref<4x4096xi32, #tpu.memory_space<vmem>>, vector<16xi32>,
      %add3A_220 = arith.addi %get3A_213, %get3A_219 : vector<16xi32>
      %add3A_221 = arith.addi %add3A_207, %add3A_220 : vector<16xi32>
      %mul3A_222 = arith.constant 16 : i32
      %mul3A_223 = arith.muli %scan3A_194, %mul3A_222 : i32
      %swap3A_224 = arith.index_cast %mul3A_223 : i32 to index
      %swap3A_225 = tpu.vector_load %arg8[%swap3A_224] {strides = array<i32>} : memref<4096xi32, #tpu.memory_space<vmem>>, vector<16xi32>,
      tpu.vector_store %arg8[%swap3A_224], %add3A_221 {strides = array<i32>} : memref<4096xi32, #tpu.memory_space<vmem>>, vector<16xi32>,
      %gt3A_226 = arith.constant 0 : i32
      %gt3A_227 = vector.broadcast %gt3A_226 : i32 to vector<16xi32>
      %gt3A_228 = arith.cmpi sgt, %add3A_221, %gt3A_227 : vector<16xi32>
      %jit3A_229 = arith.constant 8.000000e-01 : f32
      %jit3A_230 = arith.constant -8.000000e-01 : f32
      %broadcast_in_dim3A_231 = vector.broadcast %jit3A_229 : f32 to vector<16xf32>
      %broadcast_in_dim3A_232 = vector.broadcast %jit3A_230 : f32 to vector<16xf32>
      %select_n3A_233 = arith.select %gt3A_228, %broadcast_in_dim3A_231, %broadcast_in_dim3A_232 : vector<16xi1>, vector<16xf32>
      %mul3A_234 = arith.constant 16 : i32
      %mul3A_235 = arith.muli %scan3A_194, %mul3A_234 : i32
      %swap3A_236 = arith.index_cast %mul3A_235 : i32 to index
      %swap3A_237 = tpu.vector_load %arg10[%swap3A_236] {strides = array<i32>} : memref<4096xf32, #tpu.memory_space<vmem>>, vector<16xf32>,
      tpu.vector_store %arg10[%swap3A_236], %select_n3A_233 {strides = array<i32>} : memref<4096xf32, #tpu.memory_space<vmem>>, vector<16xf32>,
      %broadcast_in_dim3A_238 = arith.constant true
      %broadcast_in_dim3A_239 = vector.broadcast %broadcast_in_dim3A_238 : i1 to vector<16xi1>
      %masked_cumsum3A = tpu.scan <sum>, %add3A_221 masked %broadcast_in_dim3A_239 : vector<16xi32>, vector<16xi1> -> vector<16xi32>
      %sub3A_240 = arith.subi %masked_cumsum3A, %add3A_221 : vector<16xi32>
      %mul3A_241 = arith.constant 16 : i32
      %mul3A_242 = arith.muli %scan3A_194, %mul3A_241 : i32
      %swap3A_243 = arith.index_cast %mul3A_242 : i32 to index
      %swap3A_244 = tpu.vector_load %arg9[%swap3A_243] {strides = array<i32>} : memref<4096xi32, #tpu.memory_space<vmem>>, vector<16xi32>,
      tpu.vector_store %arg9[%swap3A_243], %sub3A_240 {strides = array<i32>} : memref<4096xi32, #tpu.memory_space<vmem>>, vector<16xi32>,
    }
    %scan3A_82 = arith.constant 256 : i32
    "tpu.region"() ({
      %run_scoped3A = tpu.sem_alloc : memref<!tpu.dma_semaphore, #tpu.memory_space<semaphore_mem>>
      %dma_start3A = tpu.memref_slice %arg4[%add3A_30, %mul3A_32] : memref<4x32768xf32, #tpu.memory_space<hbm>> -> memref<1x4096xf32, #tpu.memory_space<hbm>>
      %dma_start3A_194 = tpu.memref_squeeze %dma_start3A : memref<1x4096xf32, #tpu.memory_space<hbm>> -> memref<4096xf32, #tpu.memory_space<hbm>>
      %dma_start3A_195 = tpu.memref_slice %arg4[%add3A_30, %mul3A_32] : memref<4x32768xf32, #tpu.memory_space<hbm>> -> memref<1x4096xf32, #tpu.memory_space<hbm>>
      %dma_start3A_196 = tpu.memref_squeeze %dma_start3A_195 : memref<1x4096xf32, #tpu.memory_space<hbm>> -> memref<4096xf32, #tpu.memory_space<hbm>>
      tpu.enqueue_dma source(%arg10 : memref<4096xf32, #tpu.memory_space<vmem>>) target(%dma_start3A_196 : memref<4096xf32, #tpu.memory_space<hbm>>) target_semaphore(%run_scoped3A : memref<!tpu.dma_semaphore, #tpu.memory_space<semaphore_mem>>)
      %dma_wait3A = tpu.memref_slice %arg4[%add3A_30, %mul3A_32] : memref<4x32768xf32, #tpu.memory_space<hbm>> -> memref<1x4096xf32, #tpu.memory_space<hbm>>
      %dma_wait3A_197 = tpu.memref_squeeze %dma_wait3A : memref<1x4096xf32, #tpu.memory_space<hbm>> -> memref<4096xf32, #tpu.memory_space<hbm>>
      %dma_wait3A_198 = tpu.memref_slice %arg4[%add3A_30, %mul3A_32] : memref<4x32768xf32, #tpu.memory_space<hbm>> -> memref<1x4096xf32, #tpu.memory_space<hbm>>
      %dma_wait3A_199 = tpu.memref_squeeze %dma_wait3A_198 : memref<1x4096xf32, #tpu.memory_space<hbm>> -> memref<4096xf32, #tpu.memory_space<hbm>>
      tpu.wait_dma2 semaphore(%run_scoped3A : memref<!tpu.dma_semaphore, #tpu.memory_space<semaphore_mem>>) src(%arg10 : memref<4096xf32, #tpu.memory_space<vmem>>) dst(%dma_wait3A_199 : memref<4096xf32, #tpu.memory_space<hbm>>)
      tpu.yield
    }) : () -> ()
    %broadcast_in_dim3A = arith.constant 0 : i32
    %broadcast_in_dim3A_83 = vector.broadcast %broadcast_in_dim3A : i32 to vector<16xi32>
    %add3A_84 = vector.broadcast %scan3A_75 : i32 to vector<16xi32>
    %add3A_85 = arith.addi %broadcast_in_dim3A_83, %add3A_84 : vector<16xi32>
    %swap3A = arith.constant 0 : index
    %swap3A_86 = tpu.vector_load %arg14[%swap3A] {strides = array<i32>} : memref<16xi32, #tpu.memory_space<vmem>>, vector<16xi32>,
    tpu.vector_store %arg14[%swap3A], %add3A_85 {strides = array<i32>} : memref<16xi32, #tpu.memory_space<vmem>>, vector<16xi32>,
    "tpu.region"() ({
      %run_scoped3A = tpu.sem_alloc : memref<!tpu.dma_semaphore, #tpu.memory_space<semaphore_mem>>
      %dma_start3A = arith.constant 0 : i32
      %dma_start3A_194 = tpu.memref_slice %arg18[%select_n3A, %select_n3A_28, %dma_start3A] : memref<2x8x16xi32, #tpu.memory_space<vmem_shared>> -> memref<1x1x16xi32, #tpu.memory_space<vmem_shared>>
      %dma_start3A_195 = tpu.memref_squeeze %dma_start3A_194 : memref<1x1x16xi32, #tpu.memory_space<vmem_shared>> -> memref<16xi32, #tpu.memory_space<vmem_shared>>
      %dma_start3A_196 = arith.constant 0 : i32
      %dma_start3A_197 = tpu.memref_slice %arg18[%select_n3A, %select_n3A_28, %dma_start3A_196] : memref<2x8x16xi32, #tpu.memory_space<vmem_shared>> -> memref<1x1x16xi32, #tpu.memory_space<vmem_shared>>
      %dma_start3A_198 = tpu.memref_squeeze %dma_start3A_197 : memref<1x1x16xi32, #tpu.memory_space<vmem_shared>> -> memref<16xi32, #tpu.memory_space<vmem_shared>>
      tpu.enqueue_dma source(%arg14 : memref<16xi32, #tpu.memory_space<vmem>>) target(%dma_start3A_198 : memref<16xi32, #tpu.memory_space<vmem_shared>>) target_semaphore(%run_scoped3A : memref<!tpu.dma_semaphore, #tpu.memory_space<semaphore_mem>>)
      %dma_wait3A = arith.constant 0 : i32
      %dma_wait3A_199 = tpu.memref_slice %arg18[%select_n3A, %select_n3A_28, %dma_wait3A] : memref<2x8x16xi32, #tpu.memory_space<vmem_shared>> -> memref<1x1x16xi32, #tpu.memory_space<vmem_shared>>
      %dma_wait3A_200 = tpu.memref_squeeze %dma_wait3A_199 : memref<1x1x16xi32, #tpu.memory_space<vmem_shared>> -> memref<16xi32, #tpu.memory_space<vmem_shared>>
      %dma_wait3A_201 = arith.constant 0 : i32
      %dma_wait3A_202 = tpu.memref_slice %arg18[%select_n3A, %select_n3A_28, %dma_wait3A_201] : memref<2x8x16xi32, #tpu.memory_space<vmem_shared>> -> memref<1x1x16xi32, #tpu.memory_space<vmem_shared>>
      %dma_wait3A_203 = tpu.memref_squeeze %dma_wait3A_202 : memref<1x1x16xi32, #tpu.memory_space<vmem_shared>> -> memref<16xi32, #tpu.memory_space<vmem_shared>>
      tpu.wait_dma2 semaphore(%run_scoped3A : memref<!tpu.dma_semaphore, #tpu.memory_space<semaphore_mem>>) src(%arg14 : memref<16xi32, #tpu.memory_space<vmem>>) dst(%dma_wait3A_203 : memref<16xi32, #tpu.memory_space<vmem_shared>>)
      tpu.yield
    }) : () -> ()
    %barrier3A_87 = arith.constant 0 : index
    tpu.barrier barrier_id(%barrier3A_87)
    "tpu.region"() ({
      %run_scoped3A = tpu.sem_alloc : memref<!tpu.dma_semaphore, #tpu.memory_space<semaphore_mem>>
      %dma_start3A = arith.constant 0 : i32
      %dma_start3A_194 = arith.constant 0 : i32
      %dma_start3A_195 = tpu.memref_slice %arg18[%select_n3A, %dma_start3A, %dma_start3A_194] : memref<2x8x16xi32, #tpu.memory_space<vmem_shared>> -> memref<1x8x16xi32, #tpu.memory_space<vmem_shared>>
      %dma_start3A_196 = tpu.memref_squeeze %dma_start3A_195 : memref<1x8x16xi32, #tpu.memory_space<vmem_shared>> -> memref<8x16xi32, #tpu.memory_space<vmem_shared>>
      %dma_start3A_197 = arith.constant 0 : i32
      %dma_start3A_198 = arith.constant 0 : i32
      %dma_start3A_199 = tpu.memref_slice %arg18[%select_n3A, %dma_start3A_197, %dma_start3A_198] : memref<2x8x16xi32, #tpu.memory_space<vmem_shared>> -> memref<1x8x16xi32, #tpu.memory_space<vmem_shared>>
      %dma_start3A_200 = tpu.memref_squeeze %dma_start3A_199 : memref<1x8x16xi32, #tpu.memory_space<vmem_shared>> -> memref<8x16xi32, #tpu.memory_space<vmem_shared>>
      tpu.enqueue_dma source(%dma_start3A_200 : memref<8x16xi32, #tpu.memory_space<vmem_shared>>) target(%arg15 : memref<8x16xi32, #tpu.memory_space<vmem>>) target_semaphore(%run_scoped3A : memref<!tpu.dma_semaphore, #tpu.memory_space<semaphore_mem>>)
      %dma_wait3A = arith.constant 0 : i32
      %dma_wait3A_201 = arith.constant 0 : i32
      %dma_wait3A_202 = tpu.memref_slice %arg18[%select_n3A, %dma_wait3A, %dma_wait3A_201] : memref<2x8x16xi32, #tpu.memory_space<vmem_shared>> -> memref<1x8x16xi32, #tpu.memory_space<vmem_shared>>
      %dma_wait3A_203 = tpu.memref_squeeze %dma_wait3A_202 : memref<1x8x16xi32, #tpu.memory_space<vmem_shared>> -> memref<8x16xi32, #tpu.memory_space<vmem_shared>>
      %dma_wait3A_204 = arith.constant 0 : i32
      %dma_wait3A_205 = arith.constant 0 : i32
      %dma_wait3A_206 = tpu.memref_slice %arg18[%select_n3A, %dma_wait3A_204, %dma_wait3A_205] : memref<2x8x16xi32, #tpu.memory_space<vmem_shared>> -> memref<1x8x16xi32, #tpu.memory_space<vmem_shared>>
      %dma_wait3A_207 = tpu.memref_squeeze %dma_wait3A_206 : memref<1x8x16xi32, #tpu.memory_space<vmem_shared>> -> memref<8x16xi32, #tpu.memory_space<vmem_shared>>
      tpu.wait_dma2 semaphore(%run_scoped3A : memref<!tpu.dma_semaphore, #tpu.memory_space<semaphore_mem>>) src(%dma_wait3A_207 : memref<8x16xi32, #tpu.memory_space<vmem_shared>>) dst(%arg15 : memref<8x16xi32, #tpu.memory_space<vmem>>)
      tpu.yield
    }) : () -> ()
    %broadcast_in_dim3A_88 = arith.constant 0 : i32
    %broadcast_in_dim3A_89 = vector.broadcast %broadcast_in_dim3A_88 : i32 to vector<16xi32>
    %gt3A = arith.constant 0 : i32
    %gt3A_90 = arith.cmpi sgt, %select_n3A_28, %gt3A : i32
    %jit3A_91 = arith.constant 1 : i32
    %jit3A_92 = arith.constant 0 : i32
    %select_n3A_93 = arith.select %gt3A_90, %jit3A_91, %jit3A_92 : i32
    %get3A = arith.constant 0 : i32
    %get3A_94 = arith.index_cast %get3A : i32 to index
    %get3A_95 = arith.constant 0 : index
    %get3A_96 = tpu.vector_load %arg15[%get3A_94, %get3A_95] {strides = array<i32>} : memref<8x16xi32, #tpu.memory_space<vmem>>, vector<16xi32>,
    %mul3A_97 = vector.broadcast %select_n3A_93 : i32 to vector<16xi32>
    %mul3A_98 = arith.muli %get3A_96, %mul3A_97 : vector<16xi32>
    %add3A_99 = arith.addi %broadcast_in_dim3A_89, %mul3A_98 : vector<16xi32>
    %gt3A_100 = arith.constant 1 : i32
    %gt3A_101 = arith.cmpi sgt, %select_n3A_28, %gt3A_100 : i32
    %jit3A_102 = arith.constant 1 : i32
    %jit3A_103 = arith.constant 0 : i32
    %select_n3A_104 = arith.select %gt3A_101, %jit3A_102, %jit3A_103 : i32
    %get3A_105 = arith.constant 1 : i32
    %get3A_106 = arith.index_cast %get3A_105 : i32 to index
    %get3A_107 = arith.constant 0 : index
    %get3A_108 = tpu.vector_load %arg15[%get3A_106, %get3A_107] {strides = array<i32>} : memref<8x16xi32, #tpu.memory_space<vmem>>, vector<16xi32>,
    %mul3A_109 = vector.broadcast %select_n3A_104 : i32 to vector<16xi32>
    %mul3A_110 = arith.muli %get3A_108, %mul3A_109 : vector<16xi32>
    %add3A_111 = arith.addi %add3A_99, %mul3A_110 : vector<16xi32>
    %gt3A_112 = arith.constant 2 : i32
    %gt3A_113 = arith.cmpi sgt, %select_n3A_28, %gt3A_112 : i32
    %jit3A_114 = arith.constant 1 : i32
    %jit3A_115 = arith.constant 0 : i32
    %select_n3A_116 = arith.select %gt3A_113, %jit3A_114, %jit3A_115 : i32
    %get3A_117 = arith.constant 2 : i32
    %get3A_118 = arith.index_cast %get3A_117 : i32 to index
    %get3A_119 = arith.constant 0 : index
    %get3A_120 = tpu.vector_load %arg15[%get3A_118, %get3A_119] {strides = array<i32>} : memref<8x16xi32, #tpu.memory_space<vmem>>, vector<16xi32>,
    %mul3A_121 = vector.broadcast %select_n3A_116 : i32 to vector<16xi32>
    %mul3A_122 = arith.muli %get3A_120, %mul3A_121 : vector<16xi32>
    %add3A_123 = arith.addi %add3A_111, %mul3A_122 : vector<16xi32>
    %gt3A_124 = arith.constant 3 : i32
    %gt3A_125 = arith.cmpi sgt, %select_n3A_28, %gt3A_124 : i32
    %jit3A_126 = arith.constant 1 : i32
    %jit3A_127 = arith.constant 0 : i32
    %select_n3A_128 = arith.select %gt3A_125, %jit3A_126, %jit3A_127 : i32
    %get3A_129 = arith.constant 3 : i32
    %get3A_130 = arith.index_cast %get3A_129 : i32 to index
    %get3A_131 = arith.constant 0 : index
    %get3A_132 = tpu.vector_load %arg15[%get3A_130, %get3A_131] {strides = array<i32>} : memref<8x16xi32, #tpu.memory_space<vmem>>, vector<16xi32>,
    %mul3A_133 = vector.broadcast %select_n3A_128 : i32 to vector<16xi32>
    %mul3A_134 = arith.muli %get3A_132, %mul3A_133 : vector<16xi32>
    %add3A_135 = arith.addi %add3A_123, %mul3A_134 : vector<16xi32>
    %gt3A_136 = arith.constant 4 : i32
    %gt3A_137 = arith.cmpi sgt, %select_n3A_28, %gt3A_136 : i32
    %jit3A_138 = arith.constant 1 : i32
    %jit3A_139 = arith.constant 0 : i32
    %select_n3A_140 = arith.select %gt3A_137, %jit3A_138, %jit3A_139 : i32
    %get3A_141 = arith.constant 4 : i32
    %get3A_142 = arith.index_cast %get3A_141 : i32 to index
    %get3A_143 = arith.constant 0 : index
    %get3A_144 = tpu.vector_load %arg15[%get3A_142, %get3A_143] {strides = array<i32>} : memref<8x16xi32, #tpu.memory_space<vmem>>, vector<16xi32>,
    %mul3A_145 = vector.broadcast %select_n3A_140 : i32 to vector<16xi32>
    %mul3A_146 = arith.muli %get3A_144, %mul3A_145 : vector<16xi32>
    %add3A_147 = arith.addi %add3A_135, %mul3A_146 : vector<16xi32>
    %gt3A_148 = arith.constant 5 : i32
    %gt3A_149 = arith.cmpi sgt, %select_n3A_28, %gt3A_148 : i32
    %jit3A_150 = arith.constant 1 : i32
    %jit3A_151 = arith.constant 0 : i32
    %select_n3A_152 = arith.select %gt3A_149, %jit3A_150, %jit3A_151 : i32
    %get3A_153 = arith.constant 5 : i32
    %get3A_154 = arith.index_cast %get3A_153 : i32 to index
    %get3A_155 = arith.constant 0 : index
    %get3A_156 = tpu.vector_load %arg15[%get3A_154, %get3A_155] {strides = array<i32>} : memref<8x16xi32, #tpu.memory_space<vmem>>, vector<16xi32>,
    %mul3A_157 = vector.broadcast %select_n3A_152 : i32 to vector<16xi32>
    %mul3A_158 = arith.muli %get3A_156, %mul3A_157 : vector<16xi32>
    %add3A_159 = arith.addi %add3A_147, %mul3A_158 : vector<16xi32>
    %gt3A_160 = arith.constant 6 : i32
    %gt3A_161 = arith.cmpi sgt, %select_n3A_28, %gt3A_160 : i32
    %jit3A_162 = arith.constant 1 : i32
    %jit3A_163 = arith.constant 0 : i32
    %select_n3A_164 = arith.select %gt3A_161, %jit3A_162, %jit3A_163 : i32
    %get3A_165 = arith.constant 6 : i32
    %get3A_166 = arith.index_cast %get3A_165 : i32 to index
    %get3A_167 = arith.constant 0 : index
    %get3A_168 = tpu.vector_load %arg15[%get3A_166, %get3A_167] {strides = array<i32>} : memref<8x16xi32, #tpu.memory_space<vmem>>, vector<16xi32>,
    %mul3A_169 = vector.broadcast %select_n3A_164 : i32 to vector<16xi32>
    %mul3A_170 = arith.muli %get3A_168, %mul3A_169 : vector<16xi32>
    %add3A_171 = arith.addi %add3A_159, %mul3A_170 : vector<16xi32>
    %gt3A_172 = arith.constant 7 : i32
    %gt3A_173 = arith.cmpi sgt, %select_n3A_28, %gt3A_172 : i32
    %jit3A_174 = arith.constant 1 : i32
    %jit3A_175 = arith.constant 0 : i32
    %select_n3A_176 = arith.select %gt3A_173, %jit3A_174, %jit3A_175 : i32
    %get3A_177 = arith.constant 7 : i32
    %get3A_178 = arith.index_cast %get3A_177 : i32 to index
    %get3A_179 = arith.constant 0 : index
    %get3A_180 = tpu.vector_load %arg15[%get3A_178, %get3A_179] {strides = array<i32>} : memref<8x16xi32, #tpu.memory_space<vmem>>, vector<16xi32>,
    %mul3A_181 = vector.broadcast %select_n3A_176 : i32 to vector<16xi32>
    %mul3A_182 = arith.muli %get3A_180, %mul3A_181 : vector<16xi32>
    %add3A_183 = arith.addi %add3A_171, %mul3A_182 : vector<16xi32>
    %scan3A_184 = arith.constant 0 : i32
    %scan3A_185 = arith.constant 0 : i32
    %scan3A_186 = arith.constant 256 : i32
    %scan3A_187 = arith.addi %scan3A_185, %scan3A_186 : i32
    %scan3A_188 = arith.constant 1 : i32
    scf.for %scan3A_194 = %scan3A_185 to %scan3A_187 step %scan3A_188  : i32 {
      %iota3A = tpu.iota {dimensions = array<i32: 0>} : vector<16xi32>
      %mul3A_195 = arith.constant 16 : i32
      %mul3A_196 = arith.muli %scan3A_194, %mul3A_195 : i32
      %get3A_197 = arith.index_cast %mul3A_196 : i32 to index
      %get3A_198 = tpu.vector_load %arg8[%get3A_197] {strides = array<i32>} : memref<4096xi32, #tpu.memory_space<vmem>>, vector<16xi32>,
      %gt3A_199 = arith.constant 0 : i32
      %gt3A_200 = vector.broadcast %gt3A_199 : i32 to vector<16xi32>
      %gt3A_201 = arith.cmpi sgt, %get3A_198, %gt3A_200 : vector<16xi32>
      %mul3A_202 = arith.constant 16 : i32
      %mul3A_203 = arith.muli %scan3A_194, %mul3A_202 : i32
      %get3A_204 = arith.index_cast %mul3A_203 : i32 to index
      %get3A_205 = tpu.vector_load %arg9[%get3A_204] {strides = array<i32>} : memref<4096xi32, #tpu.memory_space<vmem>>, vector<16xi32>,
      %mul3A_206 = arith.constant 16 : i32
      %mul3A_207 = arith.muli %scan3A_194, %mul3A_206 : i32
      %get3A_208 = arith.index_cast %mul3A_207 : i32 to index
      %get3A_209 = tpu.vector_load %arg13[%get3A_208] {strides = array<i32>} : memref<4096xi32, #tpu.memory_space<vmem>>, vector<16xi32>,
      %add3A_210 = arith.addi %get3A_205, %get3A_209 : vector<16xi32>
      %add3A_211 = arith.addi %add3A_210, %add3A_183 : vector<16xi32>
      %max3A = arith.constant 0 : i32
      %max3A_212 = vector.broadcast %max3A : i32 to vector<16xi32>
      %max3A_213 = arith.maxsi %add3A_211, %max3A_212 : vector<16xi32>
      %min3A = arith.constant 2047 : i32
      %min3A_214 = vector.broadcast %min3A : i32 to vector<16xi32>
      %min3A_215 = arith.minsi %max3A_213, %min3A_214 : vector<16xi32>
      %mul3A_216 = arith.constant 16 : i32
      %mul3A_217 = arith.muli %scan3A_194, %mul3A_216 : i32
      %add3A_218 = arith.addi %mul3A_32, %mul3A_217 : i32
      %add3A_219 = vector.broadcast %add3A_218 : i32 to vector<16xi32>
      %add3A_220 = arith.addi %add3A_219, %iota3A : vector<16xi32>
      tpu.vector_store_idx %arg11[%min3A_215], %add3A_220 masked %gt3A_201 : memref<2048xi32, #tpu.memory_space<vmem>>[vector<16xi32>], vector<16xi32>, vector<16xi1>
    }
    %scan3A_189 = arith.constant 256 : i32
    "tpu.region"() ({
      %run_scoped3A = tpu.sem_alloc : memref<!tpu.dma_semaphore, #tpu.memory_space<semaphore_mem>>
      %dma_start3A = arith.constant 0 : i32
      %dma_start3A_194 = tpu.memref_slice %arg19[%select_n3A, %select_n3A_28, %dma_start3A] : memref<2x8x2048xi32, #tpu.memory_space<vmem_shared>> -> memref<1x1x2048xi32, #tpu.memory_space<vmem_shared>>
      %dma_start3A_195 = tpu.memref_squeeze %dma_start3A_194 : memref<1x1x2048xi32, #tpu.memory_space<vmem_shared>> -> memref<2048xi32, #tpu.memory_space<vmem_shared>>
      %dma_start3A_196 = arith.constant 0 : i32
      %dma_start3A_197 = tpu.memref_slice %arg19[%select_n3A, %select_n3A_28, %dma_start3A_196] : memref<2x8x2048xi32, #tpu.memory_space<vmem_shared>> -> memref<1x1x2048xi32, #tpu.memory_space<vmem_shared>>
      %dma_start3A_198 = tpu.memref_squeeze %dma_start3A_197 : memref<1x1x2048xi32, #tpu.memory_space<vmem_shared>> -> memref<2048xi32, #tpu.memory_space<vmem_shared>>
      tpu.enqueue_dma source(%arg11 : memref<2048xi32, #tpu.memory_space<vmem>>) target(%dma_start3A_198 : memref<2048xi32, #tpu.memory_space<vmem_shared>>) target_semaphore(%run_scoped3A : memref<!tpu.dma_semaphore, #tpu.memory_space<semaphore_mem>>)
      %dma_wait3A = arith.constant 0 : i32
      %dma_wait3A_199 = tpu.memref_slice %arg19[%select_n3A, %select_n3A_28, %dma_wait3A] : memref<2x8x2048xi32, #tpu.memory_space<vmem_shared>> -> memref<1x1x2048xi32, #tpu.memory_space<vmem_shared>>
      %dma_wait3A_200 = tpu.memref_squeeze %dma_wait3A_199 : memref<1x1x2048xi32, #tpu.memory_space<vmem_shared>> -> memref<2048xi32, #tpu.memory_space<vmem_shared>>
      %dma_wait3A_201 = arith.constant 0 : i32
      %dma_wait3A_202 = tpu.memref_slice %arg19[%select_n3A, %select_n3A_28, %dma_wait3A_201] : memref<2x8x2048xi32, #tpu.memory_space<vmem_shared>> -> memref<1x1x2048xi32, #tpu.memory_space<vmem_shared>>
      %dma_wait3A_203 = tpu.memref_squeeze %dma_wait3A_202 : memref<1x1x2048xi32, #tpu.memory_space<vmem_shared>> -> memref<2048xi32, #tpu.memory_space<vmem_shared>>
      tpu.wait_dma2 semaphore(%run_scoped3A : memref<!tpu.dma_semaphore, #tpu.memory_space<semaphore_mem>>) src(%arg11 : memref<2048xi32, #tpu.memory_space<vmem>>) dst(%dma_wait3A_203 : memref<2048xi32, #tpu.memory_space<vmem_shared>>)
      tpu.yield
    }) : () -> ()
    %barrier3A_190 = arith.constant 0 : index
    tpu.barrier barrier_id(%barrier3A_190)
    %eq3A_191 = arith.constant 0 : i32
    %eq3A_192 = arith.cmpi eq, %select_n3A_28, %eq3A_191 : i32
    %convert_element_type3A = arith.extui %eq3A_192 : i1 to i32
    %cond3A = arith.constant 0 : i32
    %cond3A_193 = arith.cmpi ne, %convert_element_type3A, %cond3A : i32
    scf.if %cond3A_193 {
      "tpu.region"() ({
        %run_scoped3A = tpu.sem_alloc : memref<!tpu.dma_semaphore, #tpu.memory_space<semaphore_mem>>
        %dma_start3A = arith.constant 0 : i32
        %dma_start3A_201 = arith.constant 0 : i32
        %dma_start3A_202 = tpu.memref_slice %arg19[%select_n3A, %dma_start3A, %dma_start3A_201] : memref<2x8x2048xi32, #tpu.memory_space<vmem_shared>> -> memref<1x8x2048xi32, #tpu.memory_space<vmem_shared>>
        %dma_start3A_203 = tpu.memref_squeeze %dma_start3A_202 : memref<1x8x2048xi32, #tpu.memory_space<vmem_shared>> -> memref<8x2048xi32, #tpu.memory_space<vmem_shared>>
        %dma_start3A_204 = arith.constant 0 : i32
        %dma_start3A_205 = arith.constant 0 : i32
        %dma_start3A_206 = tpu.memref_slice %arg19[%select_n3A, %dma_start3A_204, %dma_start3A_205] : memref<2x8x2048xi32, #tpu.memory_space<vmem_shared>> -> memref<1x8x2048xi32, #tpu.memory_space<vmem_shared>>
        %dma_start3A_207 = tpu.memref_squeeze %dma_start3A_206 : memref<1x8x2048xi32, #tpu.memory_space<vmem_shared>> -> memref<8x2048xi32, #tpu.memory_space<vmem_shared>>
        tpu.enqueue_dma source(%dma_start3A_207 : memref<8x2048xi32, #tpu.memory_space<vmem_shared>>) target(%arg16 : memref<8x2048xi32, #tpu.memory_space<vmem>>) target_semaphore(%run_scoped3A : memref<!tpu.dma_semaphore, #tpu.memory_space<semaphore_mem>>)
        %dma_wait3A = arith.constant 0 : i32
        %dma_wait3A_208 = arith.constant 0 : i32
        %dma_wait3A_209 = tpu.memref_slice %arg19[%select_n3A, %dma_wait3A, %dma_wait3A_208] : memref<2x8x2048xi32, #tpu.memory_space<vmem_shared>> -> memref<1x8x2048xi32, #tpu.memory_space<vmem_shared>>
        %dma_wait3A_210 = tpu.memref_squeeze %dma_wait3A_209 : memref<1x8x2048xi32, #tpu.memory_space<vmem_shared>> -> memref<8x2048xi32, #tpu.memory_space<vmem_shared>>
        %dma_wait3A_211 = arith.constant 0 : i32
        %dma_wait3A_212 = arith.constant 0 : i32
        %dma_wait3A_213 = tpu.memref_slice %arg19[%select_n3A, %dma_wait3A_211, %dma_wait3A_212] : memref<2x8x2048xi32, #tpu.memory_space<vmem_shared>> -> memref<1x8x2048xi32, #tpu.memory_space<vmem_shared>>
        %dma_wait3A_214 = tpu.memref_squeeze %dma_wait3A_213 : memref<1x8x2048xi32, #tpu.memory_space<vmem_shared>> -> memref<8x2048xi32, #tpu.memory_space<vmem_shared>>
        tpu.wait_dma2 semaphore(%run_scoped3A : memref<!tpu.dma_semaphore, #tpu.memory_space<semaphore_mem>>) src(%dma_wait3A_214 : memref<8x2048xi32, #tpu.memory_space<vmem_shared>>) dst(%arg16 : memref<8x2048xi32, #tpu.memory_space<vmem>>)
        tpu.yield
      }) : () -> ()
      %scan3A_194 = arith.constant 0 : i32
      %scan3A_195 = arith.constant 0 : i32
      %scan3A_196 = arith.constant 128 : i32
      %scan3A_197 = arith.addi %scan3A_195, %scan3A_196 : i32
      %scan3A_198 = arith.constant 1 : i32
      %scan3A_199 = scf.for %scan3A_201 = %scan3A_195 to %scan3A_197 step %scan3A_198 iter_args(%scan3A_202 = %scan3A_194) -> (i32)  : i32 {
        %mul3A_203 = arith.constant 16 : i32
        %mul3A_204 = arith.muli %scan3A_201, %mul3A_203 : i32
        %get3A_205 = arith.constant 0 : i32
        %get3A_206 = arith.index_cast %get3A_205 : i32 to index
        %get3A_207 = arith.index_cast %mul3A_204 : i32 to index
        %get3A_208 = tpu.vector_load %arg16[%get3A_206, %get3A_207] {strides = array<i32>} : memref<8x2048xi32, #tpu.memory_space<vmem>>, vector<16xi32>,
        %mul3A_209 = arith.constant 16 : i32
        %mul3A_210 = arith.muli %scan3A_201, %mul3A_209 : i32
        %get3A_211 = arith.constant 1 : i32
        %get3A_212 = arith.index_cast %get3A_211 : i32 to index
        %get3A_213 = arith.index_cast %mul3A_210 : i32 to index
        %get3A_214 = tpu.vector_load %arg16[%get3A_212, %get3A_213] {strides = array<i32>} : memref<8x2048xi32, #tpu.memory_space<vmem>>, vector<16xi32>,
        %max3A = arith.maxsi %get3A_208, %get3A_214 : vector<16xi32>
        %mul3A_215 = arith.constant 16 : i32
        %mul3A_216 = arith.muli %scan3A_201, %mul3A_215 : i32
        %get3A_217 = arith.constant 2 : i32
        %get3A_218 = arith.index_cast %get3A_217 : i32 to index
        %get3A_219 = arith.index_cast %mul3A_216 : i32 to index
        %get3A_220 = tpu.vector_load %arg16[%get3A_218, %get3A_219] {strides = array<i32>} : memref<8x2048xi32, #tpu.memory_space<vmem>>, vector<16xi32>,
        %max3A_221 = arith.maxsi %max3A, %get3A_220 : vector<16xi32>
        %mul3A_222 = arith.constant 16 : i32
        %mul3A_223 = arith.muli %scan3A_201, %mul3A_222 : i32
        %get3A_224 = arith.constant 3 : i32
        %get3A_225 = arith.index_cast %get3A_224 : i32 to index
        %get3A_226 = arith.index_cast %mul3A_223 : i32 to index
        %get3A_227 = tpu.vector_load %arg16[%get3A_225, %get3A_226] {strides = array<i32>} : memref<8x2048xi32, #tpu.memory_space<vmem>>, vector<16xi32>,
        %max3A_228 = arith.maxsi %max3A_221, %get3A_227 : vector<16xi32>
        %mul3A_229 = arith.constant 16 : i32
        %mul3A_230 = arith.muli %scan3A_201, %mul3A_229 : i32
        %get3A_231 = arith.constant 4 : i32
        %get3A_232 = arith.index_cast %get3A_231 : i32 to index
        %get3A_233 = arith.index_cast %mul3A_230 : i32 to index
        %get3A_234 = tpu.vector_load %arg16[%get3A_232, %get3A_233] {strides = array<i32>} : memref<8x2048xi32, #tpu.memory_space<vmem>>, vector<16xi32>,
        %max3A_235 = arith.maxsi %max3A_228, %get3A_234 : vector<16xi32>
        %mul3A_236 = arith.constant 16 : i32
        %mul3A_237 = arith.muli %scan3A_201, %mul3A_236 : i32
        %get3A_238 = arith.constant 5 : i32
        %get3A_239 = arith.index_cast %get3A_238 : i32 to index
        %get3A_240 = arith.index_cast %mul3A_237 : i32 to index
        %get3A_241 = tpu.vector_load %arg16[%get3A_239, %get3A_240] {strides = array<i32>} : memref<8x2048xi32, #tpu.memory_space<vmem>>, vector<16xi32>,
        %max3A_242 = arith.maxsi %max3A_235, %get3A_241 : vector<16xi32>
        %mul3A_243 = arith.constant 16 : i32
        %mul3A_244 = arith.muli %scan3A_201, %mul3A_243 : i32
        %get3A_245 = arith.constant 6 : i32
        %get3A_246 = arith.index_cast %get3A_245 : i32 to index
        %get3A_247 = arith.index_cast %mul3A_244 : i32 to index
        %get3A_248 = tpu.vector_load %arg16[%get3A_246, %get3A_247] {strides = array<i32>} : memref<8x2048xi32, #tpu.memory_space<vmem>>, vector<16xi32>,
        %max3A_249 = arith.maxsi %max3A_242, %get3A_248 : vector<16xi32>
        %mul3A_250 = arith.constant 16 : i32
        %mul3A_251 = arith.muli %scan3A_201, %mul3A_250 : i32
        %get3A_252 = arith.constant 7 : i32
        %get3A_253 = arith.index_cast %get3A_252 : i32 to index
        %get3A_254 = arith.index_cast %mul3A_251 : i32 to index
        %get3A_255 = tpu.vector_load %arg16[%get3A_253, %get3A_254] {strides = array<i32>} : memref<8x2048xi32, #tpu.memory_space<vmem>>, vector<16xi32>,
        %max3A_256 = arith.maxsi %max3A_249, %get3A_255 : vector<16xi32>
        %broadcast_in_dim3A_257 = arith.constant true
        %broadcast_in_dim3A_258 = vector.broadcast %broadcast_in_dim3A_257 : i1 to vector<16xi1>
        %masked_cummax3A = arith.constant -2147483648 : i32
        %masked_cummax3A_259 = vector.broadcast %masked_cummax3A : i32 to vector<16xi32>
        %masked_cummax3A_260 = arith.xori %max3A_256, %masked_cummax3A_259 : vector<16xi32>
        %masked_cummax3A_261 = tpu.scan <max>, %masked_cummax3A_260 masked %broadcast_in_dim3A_258 : vector<16xi32>, vector<16xi1> -> vector<16xi32>
        %masked_cummax3A_262 = arith.xori %masked_cummax3A_261, %masked_cummax3A_259 : vector<16xi32>
        %max3A_263 = vector.broadcast %scan3A_202 : i32 to vector<16xi32>
        %max3A_264 = arith.maxsi %masked_cummax3A_262, %max3A_263 : vector<16xi32>
        %mul3A_265 = arith.constant 16 : i32
        %mul3A_266 = arith.muli %scan3A_201, %mul3A_265 : i32
        %swap3A_267 = arith.index_cast %mul3A_266 : i32 to index
        %swap3A_268 = tpu.vector_load %arg11[%swap3A_267] {strides = array<i32>} : memref<2048xi32, #tpu.memory_space<vmem>>, vector<16xi32>,
        tpu.vector_store %arg11[%swap3A_267], %max3A_264 {strides = array<i32>} : memref<2048xi32, #tpu.memory_space<vmem>>, vector<16xi32>,
        %reduce_max3A = arith.constant true
        %reduce_max3A_269 = vector.broadcast %reduce_max3A : i1 to vector<16xi1>
        %reduce_max3A_270 = arith.constant -2147483648 : i32
        %reduce_max3A_271 = vector.broadcast %reduce_max3A_270 : i32 to vector<16xi32>
        %reduce_max3A_272 = arith.xori %max3A_264, %reduce_max3A_271 : vector<16xi32>
        %reduce_max3A_273 = tpu.scan <max>, %reduce_max3A_272 masked %reduce_max3A_269 : vector<16xi32>, vector<16xi1> -> vector<16xi32>
        %reduce_max3A_274 = arith.xori %reduce_max3A_273, %reduce_max3A_271 : vector<16xi32>
        %reduce_max3A_275 = vector.extract %reduce_max3A_274[15] : i32 from vector<16xi32>
        scf.yield %reduce_max3A_275 : i32
      }
      %scan3A_200 = arith.constant 128 : i32
      "tpu.region"() ({
        %run_scoped3A = tpu.sem_alloc : memref<!tpu.dma_semaphore, #tpu.memory_space<semaphore_mem>>
        %dma_start3A = arith.constant 0 : i32
        %dma_start3A_201 = tpu.memref_slice %arg3[%add3A_30, %dma_start3A] : memref<4x2048xi32, #tpu.memory_space<hbm>> -> memref<1x2048xi32, #tpu.memory_space<hbm>>
        %dma_start3A_202 = tpu.memref_squeeze %dma_start3A_201 : memref<1x2048xi32, #tpu.memory_space<hbm>> -> memref<2048xi32, #tpu.memory_space<hbm>>
        %dma_start3A_203 = arith.constant 0 : i32
        %dma_start3A_204 = tpu.memref_slice %arg3[%add3A_30, %dma_start3A_203] : memref<4x2048xi32, #tpu.memory_space<hbm>> -> memref<1x2048xi32, #tpu.memory_space<hbm>>
        %dma_start3A_205 = tpu.memref_squeeze %dma_start3A_204 : memref<1x2048xi32, #tpu.memory_space<hbm>> -> memref<2048xi32, #tpu.memory_space<hbm>>
        tpu.enqueue_dma source(%arg11 : memref<2048xi32, #tpu.memory_space<vmem>>) target(%dma_start3A_205 : memref<2048xi32, #tpu.memory_space<hbm>>) target_semaphore(%run_scoped3A : memref<!tpu.dma_semaphore, #tpu.memory_space<semaphore_mem>>)
        %dma_wait3A = arith.constant 0 : i32
        %dma_wait3A_206 = tpu.memref_slice %arg3[%add3A_30, %dma_wait3A] : memref<4x2048xi32, #tpu.memory_space<hbm>> -> memref<1x2048xi32, #tpu.memory_space<hbm>>
        %dma_wait3A_207 = tpu.memref_squeeze %dma_wait3A_206 : memref<1x2048xi32, #tpu.memory_space<hbm>> -> memref<2048xi32, #tpu.memory_space<hbm>>
        %dma_wait3A_208 = arith.constant 0 : i32
        %dma_wait3A_209 = tpu.memref_slice %arg3[%add3A_30, %dma_wait3A_208] : memref<4x2048xi32, #tpu.memory_space<hbm>> -> memref<1x2048xi32, #tpu.memory_space<hbm>>
        %dma_wait3A_210 = tpu.memref_squeeze %dma_wait3A_209 : memref<1x2048xi32, #tpu.memory_space<hbm>> -> memref<2048xi32, #tpu.memory_space<hbm>>
        tpu.wait_dma2 semaphore(%run_scoped3A : memref<!tpu.dma_semaphore, #tpu.memory_space<semaphore_mem>>) src(%arg11 : memref<2048xi32, #tpu.memory_space<vmem>>) dst(%dma_wait3A_210 : memref<2048xi32, #tpu.memory_space<hbm>>)
        tpu.yield
      }) : () -> ()
    } else {
    }
    return
  }
}

</mosaic_0001>

<sc_bundles>
// kernel: kernel.3.cloned.1.call-start
scs
__scs_entry_jumppad:
0x0: {  	(pc) =	sbr.rel $0x88, $3  }
0x1: {  	(tag) =	ssettag $0x0;
	lr =	simm.s32 $0x1  }
0x2: {  	[smem:$0x3FA0] =	sst lr;
	_ =	strace $0xD0000000  }
0x3: {  	_ = 	snop  }
0x4: {  	_ = 	snop  }
0x5: {  	_ = 	snop  }
0x6: {  	_ = 	snop  }
0x7: {  	_ = 	snop  }
__scs_overlays_trampoline_lowered:
0x8: {  	[smem:$0x3FAF] =	sst s0  }
0x9: {  	[smem:$0x3FB0] =	sst s1  }
0xa: {  	[smem:$0x3FB1] =	sst s2  }
0xb: {  	[smem:$0x3FB2] =	sst s3  }
0xc: {  	[smem:$0x3FB3] =	sst s4  }
0xd: {  	[smem:$0x3FB4] =	sst s5  }
0xe: {  	[smem:$0x3FB5] =	sst s6  }
0xf: {  	[smem:$0x3FB6] =	sst s7  }
0x10: {  	[smem:$0x3FB7] =	sst s8  }
0x11: {  	[smem:$0x3FB8] =	sst s9;
	s0 =	simm.s32 @!p0 $0x0  }
0x12: {  	s1 =	sld [smem:$0x3F9E];
	s0 =	simm.s32 @p0 $0x1  }
0x13: {  	[smem:$0x3FB9] =	sst s0;
	s0 =	simm.s32 @!p1 $0x0  }
0x14: {  	s2 =	sld [smem:$0x3F9D];
	s0 =	simm.s32 @p1 $0x1  }
0x15: {  	[smem:$0x3FBA] =	sst s0;
	s0 =	simm.s32 @!p2 $0x0  }
0x16: {  	s3 =	sld [smem:$0x3FDB];
	s0 =	simm.s32 @p2 $0x1  }
0x17: {  	s4 =	simm.s32 $0x1BF5;
	[smem:$0x3FBC] =	sst s0  }
0x18: {  	s0 =	sld [smem:$0x3F9F];
	_ =	swait.ge [sflag:s4], $0x0  }
0x19: {  	s7 =	sld [smem:$0x3FA0]  }
0x1a: {  	s8 =	sadd.s32 $0xFFFFE003, lr  }
0x1b: {  	s9 =	sadd.s32 $0xFFFFFEF7, lr;
	s5 =	simm.s32 $0xFFFFFFFF;
	p2 =	slt.u32 s8, $0xFFFFF086  }
0x1c: {  	p1 =	slt.u32 s9, $0xF7A;
	s5 =	simm.s32 @!p2 $0x0  }
0x1d: {  	s5 =	simm.s32 @p1 $0x1;
	p0 =	seq.s32 s7, s2  }
0x1e: {  	s7 =	smul.u32 @!p0 $0xF7A, s2;
	p2 =	seq.s32 @!p0 s5, $0x0  }
0x1f: {  	s9 =	smul.u32 $0xF7A, s1;
	s8 =	simm.s32 @!p0 $0x1BF5;
	p2 =	por !p2, p0  }
0x20: {  	[sflag:s8] =	ssyncset.s32 @!p0 $0xFFFFF086;
	s6 =	sadd.s32 @!p0 s3, s7;
	s7 =	simm.s32 @!p0 $0x108  }
0x21: {  	s3 =	sadd.s32 s3, s9;
	s6 =	sadd.s32 @!p0 $0x88, s6;
	s7 =	simm.s32 @p2 $0x1082  }
0x22: {  	[simem:s7], [sflag:s8] =	dma.local @!p0 [hbm:s6], $0xF7A  }
0x23: {  	s9 =	sor.u32 $0xD0000000, s2;
	s6 =	simm.s32 $0x108;
	_ =	swait.ge @!p0 [sflag:s8], $0x0  }
0x24: {  	s3 =	sadd.s32 $0x88, s3;
	s6 =	simm.s32 @!p1 $0x1082;
	[sflag:s4] =	ssyncset.s32 $0xFFFFF086  }
0x25: {  	[simem:s6], [sflag:s4] =	dma.local [hbm:s3], $0xF7A  }
0x26: {  	[smem:$0x3FA0] =	sst s1;
	(tag) =	ssettag s2;
	_ =	strace s9  }
0x27: {  	s1 =	sld [smem:$0x3FB0]  }
0x28: {  	s2 =	sld [smem:$0x3FB1]  }
0x29: {  	s4 =	sld [smem:$0x3FB3]  }
0x2a: {  	p0 =	seq.s32 s5, $0x0;
	s5 =	sld [smem:$0x3FB4]  }
0x2b: {  	s6 =	sld [smem:$0x3FB5]  }
0x2c: {  	s7 =	sld [smem:$0x3FB6]  }
0x2d: {  	s3 =	simm.s32 $0x108;
	s8 =	sld [smem:$0x3FB7]  }
0x2e: {  	s3 =	simm.s32 @!p0 $0x1082;
	s9 =	sld [smem:$0x3FB8]  }
0x2f: {  	lr =	sadd.s32 s0, s3;
	s0 =	sld [smem:$0x3FAF]  }
0x30: {  	s3 =	sld [smem:$0x3FB2]  }
0x31: {  	[smem:$0x3FBB] =	sst s10  }
0x32: {  	s10 =	sld [smem:$0x3FB9];
	_ =	sdelay $0x3  }
0x33: {  	p0 =	seq.s32 s10, $0x1;
	s10 =	sld [smem:$0x3FBB];
	_ =	sdelay $0x3  }
0x34: {  	[smem:$0x3FBB] =	sst s10  }
0x35: {  	s10 =	sld [smem:$0x3FBA];
	_ =	sdelay $0x3  }
0x36: {  	p1 =	seq.s32 s10, $0x1;
	s10 =	sld [smem:$0x3FBB];
	_ =	sdelay $0x3  }
0x37: {  	[smem:$0x3FBB] =	sst s10  }
0x38: {  	s10 =	sld [smem:$0x3FBC]  }
0x39: {  	_ = 	snop;
	(pc) =	sbr.ind lr, $3  }
0x3a: {  	_ = 	snop  }
0x3b: {  	_ = 	snop  }
0x3c: {  	p2 =	seq.s32 s10, $0x1;
	s10 =	sld [smem:$0x3FBB]  }
0x3d: {  	_ =	shalt  }
0x3e: {  	_ =	shalt  }
0x3f: {  	_ =	shalt  }
0x40: {  	_ =	shalt  }
0x41: {  	_ =	shalt  }
0x42: {  	_ =	shalt  }
0x43: {  	_ =	shalt  }
0x44: {  	_ =	shalt  }
0x45: {  	_ =	shalt  }
0x46: {  	_ =	shalt  }
0x47: {  	_ =	shalt  }
0x48: {  	_ =	shalt  }
0x49: {  	_ =	shalt  }
0x4a: {  	_ =	shalt  }
0x4b: {  	_ =	shalt  }
0x4c: {  	_ =	shalt  }
0x4d: {  	_ =	shalt  }
0x4e: {  	_ =	shalt  }
0x4f: {  	_ =	shalt  }
0x50: {  	_ =	shalt  }
0x51: {  	_ =	shalt  }
0x52: {  	_ =	shalt  }
0x53: {  	_ =	shalt  }
0x54: {  	_ =	shalt  }
0x55: {  	_ =	shalt  }
0x56: {  	_ =	shalt  }
0x57: {  	_ =	shalt  }
0x58: {  	_ =	shalt  }
0x59: {  	_ =	shalt  }
0x5a: {  	_ =	shalt  }
0x5b: {  	_ =	shalt  }
0x5c: {  	_ =	shalt  }
0x5d: {  	_ =	shalt  }
0x5e: {  	_ =	shalt  }
0x5f: {  	_ =	shalt  }
0x60: {  	_ =	shalt  }
0x61: {  	_ =	shalt  }
0x62: {  	_ =	shalt  }
0x63: {  	_ =	shalt  }
0x64: {  	_ =	shalt  }
0x65: {  	_ =	shalt  }
0x66: {  	_ =	shalt  }
0x67: {  	_ =	shalt  }
0x68: {  	_ =	shalt  }
0x69: {  	_ =	shalt  }
0x6a: {  	_ =	shalt  }
0x6b: {  	_ =	shalt  }
0x6c: {  	_ =	shalt  }
0x6d: {  	_ =	shalt  }
0x6e: {  	_ =	shalt  }
0x6f: {  	_ =	shalt  }
0x70: {  	_ =	shalt  }
0x71: {  	_ =	shalt  }
0x72: {  	_ =	shalt  }
0x73: {  	_ =	shalt  }
0x74: {  	_ =	shalt  }
0x75: {  	_ =	shalt  }
0x76: {  	_ =	shalt  }
0x77: {  	_ =	shalt  }
0x78: {  	_ =	shalt  }
0x79: {  	_ =	shalt  }
0x7a: {  	_ =	shalt  }
0x7b: {  	_ =	shalt  }
0x7c: {  	_ =	shalt  }
0x7d: {  	_ =	shalt  }
0x7e: {  	_ =	shalt  }
0x7f: {  	_ =	shalt  }
0x80: {  	_ =	shalt  }
0x81: {  	_ =	shalt  }
0x82: {  	_ =	shalt  }
0x83: {  	_ =	shalt  }
0x84: {  	_ =	shalt  }
0x85: {  	_ =	shalt  }
0x86: {  	_ =	shalt  }
0x87: {  	_ =	shalt  }
.Lfunc_end0:
.L_simem_size_0:
called_computation_lowered:
.L_overlay_start_0:
0x88: {  	s2 =	sld [smem:$0x3FD9]  }
0x89: {  	s3 =	sld [smem:$0x3FFE];
	_ =	sdelay $0x1  }
0x8a: {  	s1 =	srdreg.scid  }
0x8b: {  	s0 =	sand.u32 $0x1, s1  }
0x8c: {  	s14 =	sshll.u32 s0, $0xA;
	s2 =	sadd.s32 s3, s2  }
0x8d: {  	s2 =	sadd.s32 s2, s14  }
0x8e: {  	[smem:$0x3FC7] =	sst s2  }
0x8f: {  	_ = 	snop  }
0x90: {  	s2 =	sld [smem:$0x3FD0];
	_ =	sdelay $0x2  }
0x91: {  	s4 =	simm.s32 $0xA;
	s5 =	simm.s32 $0x10;
	s15 =	sld [smem:$0x3FC9]  }
0x92: {  	[smem:s5], [sflag:s4] =	dma.local [hbm:s2], $0x1  }
0x93: {  	_ =	swait.eq [sflag:s4], $0x1  }
0x94: {  	[sflag:s4] =	ssyncset.done $0x0  }
0x95: {  	[sflag:s4] =	ssyncadd.s32 $0xFFFFFFFF  }
0x96: {  	s16 =	sld [smem:$0x10];
	(tm) =	ssettm $0x1  }
0x97: {  	s17 =	sld [smem:$0x3FFB];
	_ =	sdelay $0x3  }
0x98: {  	_ =	strace s17  }
0x99: {  	s4 =	sld [smem:$0x3FFC];
	_ =	sdelay $0x3  }
0x9a: {  	_ =	strace s4  }
0x9b: {  	s4 =	sld [smem:$0x3FFD];
	_ =	sdelay $0x3  }
0x9c: {  	_ =	strace s4  }
0x9d: {  	_ =	strace $0x8FFFFFFF  }
0x9e: {  	s18 =	sld [smem:$0x3FDB];
	_ =	sdelay $0x1  }
0x9f: {  	s19 =	simm.s32 $_scs_section_size  }
0xa0: {  	s6 =	simm.s32 $_size__tile_overlayer_lowered;
	s7 =	simm.s32 $_tile_overlayer_lowered  }
0xa1: {  	s22 =	simm.s32 $0x1BFF;
	s21 =	sshll.u32 s7, $0x1;
	s4 =	sadd.s32 s19, s18  }
0xa2: {  	s8 =	simm.s32 $0x0;
	s20 =	sshll.u32 s6, $0x1;
	s6 =	sadd.s32 s21, s4  }
0xa3: {  	[timem:s8], [sflag:s22] =	dma.local [hbm:s6], s20  }
0xa4: {  	_ =	swait.ge [sflag:s22], s20  }
0xa5: {  	s5 =	ssub.s32 $0x0, s20;
	[sflag:s22] =	ssyncset.done $0x0  }
0xa6: {  	[sflag:s22] =	ssyncadd.s32 s5;
	_ =	sdelay $0x1  }
0xa7: {  	s23 =	simm.s32 $0x1B8B  }
0xa8: {  	_ =	swait.ge [sflag:s23], $0x1  }
0xa9: {  	[sflag:s23] =	ssyncset.done $0x0  }
0xaa: {  	s25 =	simm.s32 $0x1B8E;
	s24 =	sld [smem:$0x3FFE];
	[sflag:s23] =	ssyncadd.s32 $0xFFFFFFFF  }
0xab: {  	s26 =	simm.s32 $execute0_lowered;
	[smem:$0x3FD2] =	sst s25  }
0xac: {  	s6 =	sshll.u32 s26, $0x1;
	_ =	strace $0x80000046;
	[dreg:$0x1] =	wrdreg $0xFFFFFFFF  }
0xad: {  	s28 =	simm.s32 $_size_execute0_lowered;
	s4 =	sadd.s32 s4, s6;
	[dreg:$0x0] =	wrdreg $0x0  }
0xae: {  	s6 =	sshll.u32 s28, $0x1;
	[dreg:$0x2] =	wrdreg s4  }
0xaf: {  	[dreg:$0x3] =	wrdreg s6  }
0xb0: {  	[dreg:$0x4] =	wrdreg $0xC0  }
0xb1: {  	_ =	task [dreg:s8], $0x5FFFF  }
0xb2: {  	[dreg:$0x1] =	wrdreg $0xFFFFFFFF  }
0xb3: {  	[dreg:$0x0] =	wrdreg $0x60  }
0xb4: {  	[dreg:$0x2] =	wrdreg s15  }
0xb5: {  	[dreg:$0x3] =	wrdreg s16  }
0xb6: {  	[dreg:$0x4] =	wrdreg s24  }
0xb7: {  	[dreg:$0x5] =	wrdreg $0xF1800  }
0xb8: {  	[dreg:$0x6] =	wrdreg $0xF0800  }
0xb9: {  	[dreg:$0x7] =	wrdreg $0xF1900  }
0xba: {  	[dreg:$0x8] =	wrdreg $0x9  }
0xbb: {  	_ =	task.clear_ibuf [dreg:s8], $0x9FFFF;
	_ =	strace $0x90000046  }
0xbc: {  	s29 =	simm.s32 $0x9;
	_ =	strace $0x80000048  }
0xbd: {  	_ =	swait.ge [sflag:s29], $0x1  }
0xbe: {  	[sflag:s29] =	ssyncadd.s32 $0xFFFFFFFF  }
0xbf: {  	_ =	strace $0x90000048  }
0xc0: {  	_ =	sfence  }
0xc1: {  	s30 =	sld [smem:$0x0];
	_ =	sdelay $0x2  }
0xc2: {  	s31 =	sshll.u32 s1, $0xD;
	s1 =	sshrl.u32 s1, $0x2  }
0xc3: {  	s3 =	sand.u32 $0x4000, s31;
	s1 =	sadd.s32 s1, s30  }
0xc4: {  	s0 =	sor.u32 s3, s0;
	s1 =	sshll.u32 s1, $0x11  }
0xc5: {  	s0 =	sor.u32 s1, s0  }
0xc6: {  	s0 =	sadd.s32 $0x8F2B, s0  }
0xc7: {  	[sflag:s0] =	ssyncadd.remote.s32 $0x1  }
0xc8: {  	_ =	sfence.sel $0xFFFF  }
0xc9: {  	[dreg:$0x0] =	wrdreg $0xFFFFFFFF;
	(pc) =	sbr.abs _section_cstart, $3  }
0xca: {  	[dreg:$0x1] =	wrdreg $0xFFFFFFFF  }
0xcb: {  	_ =	task.clear_ibuf [dreg:s8], $0x2FFFF;
	_ =	strace $0x9FFFFFFF  }
0xcc: {  	(tm) =	ssettm $0x7FFFFFFF  }
0xcd: {  	_ =	shalt  }
tec
execute0_lowered:
.L_overlay_start_1:
0x0: {  	(tag) =	ssettag $0x1  }
0x1: {  	s5 =	rddreg [dreg:$0x0]  }
0x2: {  	s0 =	rddreg [dreg:$0x1]  }
0x3: {  	s3 =	rddreg [dreg:$0x2]  }
0x4: {  	s6 =	rddreg [dreg:$0x3]  }
0x5: {  	s4 =	rddreg [dreg:$0x4]  }
0x6: {  	s1 =	rddreg [dreg:$0x5]  }
0x7: {  	s2 =	srdreg.scid;
	s9 =	stileid.u32;
	s14 =	simm.s32 $0x1  }
0x8: {  	s18 =	simm.s32 $0x1;
	s19 =	simm.s32 $0x1;
	s20 =	simm.s32 $0x1  }
0x9: {  	s21 =	simm.s32 $0x2000;
	s28 =	simm.s32 $0x9000;
	s29 =	simm.s32 $0x400  }
0xa: {  	s31 =	simm.s32 $0x0;
	s7 =	sand.u32 $0x1, s2;
	s8 =	sshrl.u32 s9, $0x3  }
0xb: {  	s10 =	sand.u32 $0x7, s9;
	s2 =	simm.s32 $0x0;
	s22 =	sshll.u32 s7, $0x8  }
0xc: {  	s11 =	sshll.u32 s8, $0x7;
	s12 =	sshll.u32 s10, $0xE;
	[smem:$0x7FF] =	sst s2  }
0xd: {  	s7 =	ssub.s32 $0x2, s7;
	s23 =	sshll.u32 s10, $0x9;
	s15 =	sshll.u32 s10, $0x8  }
0xe: {  	p0 =	sne.s32 s10, $0x0;
	p1 =	sgt.u32 s10, $0x1;
	s25 =	sshll.u32 s8, $0xA  }
0xf: {  	s26 =	sshll.u32 s10, $0x7;
	s8 =	sshll.u32 s8, $0xE;
	s9 =	sor.u32 s22, s11  }
0x10: {  	_ =	strace $0x80000047;
	s13 =	sshrl.u32 s7, $0x1;
	s4 =	sadd.s32 s11, s4  }
0x11: {  	s11 =	simm.s32 $0x1;
	s30 =	sor.u32 $0x1800, s15;
	s1 =	sadd.s32 s8, s1  }
0x12: {  	s22 =	simm.s32 $0x9800;
	s12 =	sor.u32 s12, s9;
	s16 =	ssub.s32 s7, s13  }
0x13: {  	s17 =	sshrl.u32 s9, $0x3;
	s7 =	sadd.s32 s23, s4;
	s11 =	simm.s32 @!p0 $0x0  }
0x14: {  	s13 =	simm.s32 $0x1;
	s9 =	sadd.s32 s25, s6;
	[dreg:$0x7] =	wrdreg s1  }
0x15: {  	s23 =	simm.s32 $0x9C00;
	s12 =	sshrl.u32 s12, $0x3;
	s5 =	sadd.s32 s5, s17  }
0x16: {  	v9 =	vimm.s32 $0x0;
	s13 =	simm.s32 @!p1 $0x0;
	p1 =	sgt.u32 s10, $0x2;
	v2 =	vmov s11;
	s11 =	simm.s32 $0x1  }
0x17: {  	v10 =	vimm.s32 $0x180;
	v11 =	vimm.s32 $0x1;
	vm3 =	vcmask $0x1F10;
	s0 =	sadd.s32 s0, s17;
	s16 =	smax.u32 s16, $0x1;
	s17 =	simm.s32 $0x80  }
0x18: {  	vm5 =	vcmask $0x1714;
	vm6 =	vcmask $0x1B18;
	vm7 =	vcmask $0x2F20;
	s12 =	sadd.s32 s12, s3;
	s3 =	sshll.u32 s10, $0xC;
	s14 =	simm.s32 @!p1 $0x0  }
0x19: {  	vm8 =	vcmask $0x2300;
	vm9 =	vcmask $0x2724;
	p1 =	sgt.u32 s10, $0x3;
	v3 =	vmov s13;
	s13 =	simm.s32 $0x1;
	[dreg:$0x8] =	wrdreg s0  }
.Ltmp0:
0x1a: {  	vm10 =	vcmask $0x2B28;
	vm11 =	vcmask $0x3F30;
	vm12 =	vcmask $0x3300;
	s18 =	simm.s32 @!p1 $0x0;
	p1 =	sgt.u32 s10, $0x4;
	(pc) =	sbr.rel .LBB2_1-.Ltmp0, $4  }
0x1b: {  	vm13 =	vcmask $0x3734;
	v12 =	vlaneseq.u32;
	vm14 =	vcmask $0x3B38;
	s24 =	sadd.s32 $0x1000, s3;
	s19 =	simm.s32 @!p1 $0x0;
	p1 =	sgt.u32 s10, $0x5  }
0x1c: {  	v14 =	vimm.f32 $-8.000000110e-01;
	v13 =	vmul.u32 $0x10, v12;
	v4 =	vmov s14;
	s14 =	sadd.s32 s26, s1;
	s20 =	simm.s32 @!p1 $0x0;
	p1 =	seq.s32 s10, $0x7  }
0x1d: {  	v0 =	vmov s3;
	v1 =	vmov s24;
	v5 =	vmov s18;
	s18 =	simm.s32 $0x200;
	s10 =	sadd.s32 $0x800, s12;
	s11 =	simm.s32 @!p1 $0x0  }
0x1e: {  	v6 =	vmov s19;
	s19 =	simm.s32 $0x100;
	v7 =	vmov s20;
	v8 =	vmov s11;
	s11 =	sadd.s32 s26, s9;
	s26 =	simm.s32 $0xAC80  }
.LBB2_26:
0x1f: {  	vm0 =	vgt.s32 v18, v16  }
0x20: {  	v53 =	vld [tilespmem:s12+$0xB300];
	v16 =	vsel vm0, v18, v16  }
0x21: {  	vm0 =	vgt.s32 v16, v15  }
0x22: {  	v54 =	vld [tilespmem:s12+$0xB380];
	v15 =	vsel vm0, v16, v15  }
0x23: {  	vm0 =	vgt.s32 v15, v17  }
0x24: {  	v55 =	vld [tilespmem:s12+$0xB400];
	v15 =	vsel vm0, v15, v17  }
0x25: {  	vm0 =	vgt.s32 v15, v53  }
0x26: {  	v15 =	vsel vm0, v15, v53  }
0x27: {  	vm0 =	vgt.s32 v15, v54  }
0x28: {  	v15 =	vsel vm0, v15, v54  }
0x29: {  	vm0 =	vgt.s32 v15, v55  }
0x2a: {  	v15 =	vsel vm0, v15, v55  }
0x2b: {  	v15 =	vxor.u32 $0x80000000, v15  }
0x2c: {  	(xrf0) =	vmax.scan.msk.u32 $0xffff, v15;
	_ =	sdelay $0x5  }
0x2d: {  	s8 =	spop (v2sf);
	v15, _, _ =	vpop (xrf0)  }
0x2e: {  	s8 =	sxor.u32 $0x80000000, s8;
	v15 =	vxor.u32 $0x80000000, v15  }
0x2f: {  	s1 =	sadd.s32 $0x80, s1;
	vm0 =	vgt.s32 v15, s8  }
0x30: {  	s6 =	sand.u32 $0x70, s6;
	s0 =	sadd.s32 $0x10, s0;
	s1 =	sand.u32 $0x3C00, s1;
	v15 =	vnsel vm0, s8, v15  }
0x31: {  	s1 =	sor.u32 s6, s1;
	[tilespmem:s0+$0x0] =	vst v15  }
0x32: {  	v56 =	vld [tilespmem:s1+$0xB100]  }
0x33: {  	v57 =	vld [tilespmem:s1+$0xB080];
	_ =	sdelay $0x1  }
0x34: {  	v58 =	vld [tilespmem:s1+$0xB180]  }
0x35: {  	v15 =	vxor.u32 $0x80000000, v15  }
0x36: {  	(xrf0) =	vmax.scan.msk.u32 $0xffff, v15;
	v15 =	vld [tilespmem:s1+$0xB200]  }
0x37: {  	vm0 =	vgt.s32 v57, v56  }
0x38: {  	v59 =	vld [tilespmem:s1+$0xB280];
	v16 =	vsel vm0, v57, v56  }
0x39: {  	vm0 =	vgt.s32 v16, v58  }
0x3a: {  	v60 =	vld [tilespmem:s1+$0xB300];
	v16 =	vsel vm0, v16, v58  }
0x3b: {  	vm0 =	vgt.s32 v16, v15  }
0x3c: {  	v61 =	vld [tilespmem:s1+$0xB380];
	v19, _, _ =	vpop (xrf0);
	v15 =	vsel vm0, v16, v15  }
0x3d: {  	(v2sf) =	vpush v19, $0xF;
	vm0 =	vgt.s32 v15, v59  }
0x3e: {  	v62 =	vld [tilespmem:s1+$0xB400];
	v15 =	vsel vm0, v15, v59  }
0x3f: {  	vm0 =	vgt.s32 v15, v60  }
0x40: {  	v15 =	vsel vm0, v15, v60  }
0x41: {  	vm0 =	vgt.s32 v15, v61  }
0x42: {  	v15 =	vsel vm0, v15, v61  }
0x43: {  	vm0 =	vgt.s32 v15, v62  }
0x44: {  	v15 =	vsel vm0, v15, v62  }
0x45: {  	v15 =	vxor.u32 $0x80000000, v15  }
0x46: {  	(xrf0) =	vmax.scan.msk.u32 $0xffff, v15;
	_ =	sdelay $0x5  }
0x47: {  	s24 =	spop (v2sf);
	v15, _, _ =	vpop (xrf0)  }
0x48: {  	s1 =	sxor.u32 $0x80000000, s24;
	v15 =	vxor.u32 $0x80000000, v15  }
0x49: {  	vm0 =	vgt.s32 v15, s1  }
0x4a: {  	v15 =	vnsel vm0, s1, v15  }
0x4b: {  	v63 =	vxor.u32 $0x80000000, v15  }
0x4c: {  	(xrf0) =	vmax.scan.msk.u32 $0xffff, v63;
	_ =	sdelay $0x5  }
0x4d: {  	v16, _, _ =	vpop (xrf0)  }
0x4e: {  	(v2sf) =	vpush v16, $0xF;
	_ =	sdelay $0xb  }
0x4f: {  	s0 =	sadd.s32 $0x10, s0  }
0x50: {  	[tilespmem:s0+$0x0] =	vst v15;
	s0 =	rddreg [dreg:$0x8]  }
0x51: {  	[hbm4b:s0+s17] =	stream.strided.scatter [tilespmem:s28], [sflag:$0x1], $0x800, s18, s17, $0x38;
	[tilespmem:$0xF990] =	vst v63  }
0x52: {  	s25 =	spop (v2sf)  }
0x53: {  	_ =	swait.ge [sflag:s13], $0x800  }
0x54: {  	[sflag:s13] =	ssyncset.done $0x0  }
0x55: {  	[sflag:s13] =	ssyncadd.s32 $0xFFFFF800  }
.LBB2_27:
0x56: {  	s31 =	sadd.s32 $0x1, s31  }
0x57: {  	p1 =	sne.s32 s31, s16  }
.Ltmp1:
0x58: {  	_ = 	snop;
	(pc) =	sbr.rel @!p1 .LBB2_28-.Ltmp1, $1  }
0x59: {  	_ =	sdelay $0x3  }
.LBB2_1:
0x5a: {  	[tilespmem:s2], [sflag:$0x1] =	stream.strided.gather [hbm4b:s5+s17], $0x1800, s18, s17, $0x38;
	[tilespmem:$0xF990] =	vst v63  }
0x5b: {  	s0 =	sadd.s32 $0x0, s15;
	_ =	swait.ge [sflag:s13], $0x1800  }
0x5c: {  	s1 =	sand.u32 $0x70, s2;
	s0 =	sand.u32 $0x780, s0;
	[sflag:s13] =	ssyncset.done $0x0  }
0x5d: {  	s0 =	sor.u32 s1, s0;
	[sflag:s13] =	ssyncadd.s32 $0xFFFFE800  }
0x5e: {  	v15 =	vld [tilespmem:s0+$0x800]  }
0x5f: {  	v16 =	vld [tilespmem:s0+$0x1000];
	_ =	sdelay $0x2  }
0x60: {  	v17 =	vld [tilespmem:s15+$0x0]  }
0x61: {  	v18 =	vshrl.u32 v15, $0x10  }
0x62: {  	v19 =	vshrl.u32 v16, $0x10;
	v18 =	vand.u32 $0x1, v18  }
0x63: {  	v19 =	vand.u32 $0x1, v19;
	v18 =	vadd.s32 v18, v15  }
0x64: {  	v19 =	vadd.s32 v19, v16;
	v18 =	vadd.s32 $0x7FFF, v18  }
0x65: {  	v21 =	vshrl.u32 v17, $0x10;
	v20 =	vand.u32 $0xFFFF0000, v18;
	v18 =	vadd.s32 $0x7FFF, v19  }
0x66: {  	v19 =	vand.u32 $0x1, v21;
	v21 =	vand.u32 $0xFFFF0000, v18;
	v18 =	vadd.f32 $1.000000000e+00, v20  }
0x67: {  	v19 =	vadd.s32 v19, v17;
	v22 =	vadd.f32 $1.000000000e+00, v21  }
0x68: {  	v15 =	vmul.f32 v15, v15;
	v19 =	vadd.s32 $0x7FFF, v19;
	v18 =	vmul.f32 $1.600000000e+01, v18  }
0x69: {  	v17 =	vmul.f32 v17, v17;
	v19 =	vand.u32 $0xFFFF0000, v19;
	v22 =	vmul.f32 $1.600000000e+01, v22  }
0x6a: {  	v16 =	vmul.f32 v16, v16;
	v23 =	vadd.f32 $1.000000000e+00, v19;
	v18 =	vtrunc.f32 v18  }
0x6b: {  	v15 =	vadd.f32 v15, v17;
	v17 =	vcvt.f32.s32 v18;
	v18 =	vtrunc.f32 v22  }
0x6c: {  	v22 =	vmul.f32 $1.600000000e+01, v23;
	v18 =	vcvt.f32.s32 v18  }
0x6d: {  	v15 =	vadd.f32 v16, v15;
	vm0 =	vgt.s32 v17, $0x0  }
0x6e: {  	v16 =	vtrunc.f32 v22;
	v17 =	vnsel vm0, $0x0, v17;
	vm0 =	vgt.s32 v18, $0x0  }
0x6f: {  	v16 =	vcvt.f32.s32 v16;
	v17 =	vmin.u32 v17, $0x1F;
	v18 =	vnsel vm0, $0x0, v18  }
0x70: {  	v22 =	vcvt.s32.f32 v17;
	v23 =	vadd.s32 $0x1, v17;
	v18 =	vmin.u32 v18, $0x1F  }
0x71: {  	v23 =	vcvt.s32.f32 v23;
	v24 =	vcvt.s32.f32 v18;
	v25 =	vadd.s32 $0x1, v18  }
0x72: {  	vm0 =	vgt.s32 v16, $0x0;
	v22 =	vmul.f32 $6.250000000e-02, v22;
	v25 =	vcvt.s32.f32 v25  }
0x73: {  	v16 =	vnsel vm0, $0x0, v16;
	v23 =	vmul.f32 $6.250000000e-02, v23;
	v24 =	vmul.f32 $6.250000000e-02, v24  }
0x74: {  	v26 =	vmin.u32 v16, $0x1F;
	v16 =	vadd.f32 $-1.000000000e+00, v22;
	v22 =	vmul.f32 $6.250000000e-02, v25  }
0x75: {  	v27 =	vadd.s32 $0x1, v26;
	v23 =	vadd.f32 $-1.000000000e+00, v23;
	v24 =	vadd.f32 $-1.000000000e+00, v24  }
0x76: {  	v25 =	vcvt.s32.f32 v26;
	vm0 =	vge.f32 v16, v20;
	v16 =	vadd.f32 $-1.000000000e+00, v22  }
0x77: {  	v22 =	vcvt.s32.f32 v27;
	vm1 =	vlt.f32 v23, v20;
	vm2 =	vge.f32 v24, v21  }
0x78: {  	v23 =	vsel vm0, $0xFFFFFFFF, v9;
	v24 =	vsel vm2, $0xFFFFFFFF, v9;
	vm0 =	vlt.f32 v16, v21  }
0x79: {  	v16 =	vsel vm1, $0x1, v9;
	v22 =	vmul.f32 $6.250000000e-02, v22;
	v17 =	vadd.s32 v23, v17  }
0x7a: {  	v23 =	vmul.f32 $6.250000000e-02, v25;
	v18 =	vadd.s32 v24, v18;
	v24 =	vsel vm0, $0x1, v9  }
0x7b: {  	v17 =	vadd.s32 v16, v17;
	v18 =	vadd.s32 v24, v18;
	v22 =	vadd.f32 $-1.000000000e+00, v22  }
0x7c: {  	vm1 =	vgt.s32 v17, $0x0;
	v23 =	vadd.f32 $-1.000000000e+00, v23;
	vm0 =	vgt.s32 v18, $0x0  }
0x7d: {  	v24 =	vnsel vm1, $0x0, v17;
	vm2 =	vlt.s32 v18, $0x1F;
	v16 =	vnsel vm0, $0x0, v18  }
0x7e: {  	vm0 =	vlt.f32 v22, v19;
	v22 =	vmin.u32 v24, $0x1F;
	v16 =	vmin.u32 v16, $0x1F  }
0x7f: {  	v25 =	vadd.s32 $0x1, v22;
	v27 =	vcvt.s32.f32 v22;
	v24 =	vadd.s32 $0x1, v16  }
0x80: {  	vm1 =	vge.f32 v23, v19;
	v25 =	vcvt.s32.f32 v25;
	v24 =	vcvt.s32.f32 v24  }
0x81: {  	v23 =	vsel vm0, $0x1, v9;
	v28 =	vsel vm1, $0xFFFFFFFF, v9;
	vm1 =	vlt.s32 v17, $0x1F  }
0x82: {  	v26 =	vadd.s32 v28, v26;
	v25 =	vmul.f32 $6.250000000e-02, v25;
	v24 =	vmul.f32 $6.250000000e-02, v24  }
0x83: {  	v28 =	vcvt.s32.f32 v16;
	v27 =	vadd.f32 $5.000000000e-01, v27;
	v23 =	vadd.s32 v23, v26  }
0x84: {  	vm0 =	vgt.s32 v23, $0x0;
	v25 =	vadd.f32 $-1.000000000e+00, v25;
	v24 =	vadd.f32 $-1.000000000e+00, v24  }
0x85: {  	v28 =	vadd.f32 $5.000000000e-01, v28;
	v26 =	vmul.f32 $6.250000000e-02, v27;
	v17 =	vnsel vm0, $0x0, v23  }
0x86: {  	v27 =	vmin.u32 v17, $0x1F;
	vm15 =	veq.f32 v25, v20;
	vm0 =	veq.f32 v24, v21  }
0x87: {  	v18 =	vadd.s32 $0x1, v27;
	vm1 =	vmand vm1, vm15;
	vm0 =	vmand vm2, vm0  }
0x88: {  	v24 =	vcvt.s32.f32 v27;
	v25 =	vsel vm1, $0x1, v9;
	v17 =	vsel vm0, $0x1, v9  }
0x89: {  	v30 =	vcvt.s32.f32 v18;
	v25 =	vadd.s32 v25, v22;
	v17 =	vadd.s32 v17, v16  }
0x8a: {  	vm0 =	vlt.s32 v23, $0x1F;
	v23 =	vadd.f32 $5.000000000e-01, v24;
	v29 =	vcvt.s32.f32 v17  }
0x8b: {  	v31 =	vcvt.s32.f32 v25;
	v18 =	vshll.u32 v25, $0x5;
	v25 =	vmul.f32 $6.250000000e-02, v30  }
0x8c: {  	v26 =	vadd.f32 $-1.000000000e+00, v26;
	v23 =	vmul.f32 $6.250000000e-02, v23;
	v24 =	vadd.f32 $5.000000000e-01, v29  }
0x8d: {  	v25 =	vadd.f32 $-1.000000000e+00, v25;
	v29 =	vadd.f32 $5.000000000e-01, v31  }
0x8e: {  	v37 =	vmul.f32 v26, v26;
	v23 =	vadd.f32 $-1.000000000e+00, v23;
	v30 =	vmul.f32 $6.250000000e-02, v24  }
0x8f: {  	vm1 =	veq.f32 v25, v19;
	v24 =	vmul.f32 v20, v26;
	v26 =	vmul.f32 $6.250000000e-02, v29  }
0x90: {  	v28 =	vmul.f32 $6.250000000e-02, v28;
	v31 =	vshll.u32 v22, $0x5;
	vm0 =	vmand vm0, vm1  }
0x91: {  	v29 =	vmul.f32 v23, v23;
	v33 =	vsel vm0, $0x1, v9;
	v26 =	vadd.f32 $-1.000000000e+00, v26  }
0x92: {  	v22 =	vadd.f32 $-1.000000000e+00, v30;
	v30 =	vmul.f32 v19, v23;
	v33 =	vadd.s32 v33, v27  }
0x93: {  	v23 =	vadd.f32 $-1.000000000e+00, v28;
	v35 =	vcvt.s32.f32 v33;
	v25 =	vmul.f32 v26, v26  }
0x94: {  	v28 =	vmul.f32 v20, v26;
	v20 =	vmul.f32 v22, v22  }
0x95: {  	v32 =	vadd.f32 v37, v29;
	v26 =	vmul.f32 v21, v23;
	v23 =	vmul.f32 v23, v23  }
0x96: {  	v22 =	vmul.f32 v21, v22;
	v38 =	vadd.f32 v24, v30;
	v35 =	vadd.f32 $5.000000000e-01, v35  }
0x97: {  	v29 =	vadd.f32 v25, v29;
	v34 =	vadd.f32 v20, v32  }
0x98: {  	v27 =	vshll.u32 v27, $0xA;
	v32 =	vadd.f32 v23, v32;
	v40 =	vadd.f32 v22, v38  }
0x99: {  	v60 =	vor.u32 v27, v31;
	v38 =	vadd.f32 v26, v38;
	v30 =	vadd.f32 v28, v30  }
0x9a: {  	v21 =	vshll.u32 v33, $0xA;
	v36 =	vadd.f32 v20, v29;
	v29 =	vadd.f32 v29, v23  }
0x9b: {  	v39 =	vor.u32 v16, v60;
	v32 =	vadd.f32 v32, v15;
	v40 =	vadd.f32 v40, v40  }
0x9c: {  	v35 =	vmul.f32 $6.250000000e-02, v35;
	v38 =	vadd.f32 v38, v38;
	v42 =	vadd.f32 v34, v15  }
0x9d: {  	v33 =	vadd.s32 v60, v17;
	v43 =	vadd.f32 v30, v26;
	v63 =	vadd.f32 v22, v30  }
0x9e: {  	v34 =	vadd.s32 v27, v18;
	v35 =	vadd.f32 $-1.000000000e+00, v35;
	v41 =	vadd.f32 v29, v15  }
0x9f: {  	v27 =	vor.u32 v31, v21;
	v32 =	vsub.f32 v32, v38;
	v61 =	vsub.f32 v42, v40  }
0xa0: {  	v29 =	vor.u32 v16, v34;
	v62 =	vadd.f32 v43, v43;
	v31 =	vadd.f32 v36, v15  }
0xa1: {  	v30 =	vmul.f32 v35, v35;
	v36 =	vmul.f32 v19, v35;
	vm0 =	vlt.f32 v61, v32  }
0xa2: {  	s6 =	smov.u32 s15;
	v35 =	vadd.f32 v63, v63;
	v19 =	vsel vm0, v61, v32;
	v32 =	vsel vm0, v33, v39  }
0xa3: {  	s8 =	smov.u32 s30;
	s1 =	simm.s32 $0x10;
	s0 =	smov.u32 s30;
	v33 =	vsub.f32 v41, v62;
	v37 =	vadd.f32 v30, v37;
	vm0 =	vlt.u32 v29, v32  }
.LBB2_2:
0xa4: {  	p1 =	sne.s32 s1, $0xF0;
	v34 =	vadd.s32 v17, v34;
	v24 =	vadd.f32 v36, v24;
	v28 =	vadd.f32 v28, v36;
	s0 =	sadd.s32 $0x10, s0;
	s6 =	sadd.s32 $0x10, s6  }
0xa5: {  	v38 =	vor.u32 v16, v27;
	s12 =	smov.u32 s1;
	s1 =	sadd.s32 $0x10, s1;
	v36 =	vadd.f32 v37, v23;
	v37 =	vadd.f32 v20, v37  }
0xa6: {  	vm1 =	veq.f32 v33, v19;
	v39 =	vadd.f32 v22, v24;
	v40 =	vadd.f32 v28, v26  }
0xa7: {  	vm2 =	vlt.f32 v33, v19;
	v25 =	vadd.f32 v25, v30;
	vm0 =	vmand vm1, vm0  }
0xa8: {  	v30 =	vsub.f32 v31, v35;
	vm0 =	vmor vm2, vm0;
	v24 =	vadd.f32 v24, v26  }
0xa9: {  	v19 =	vsel vm0, v33, v19;
	v26 =	vsel vm0, v29, v32;
	v29 =	vadd.f32 v36, v15  }
0xaa: {  	vm0 =	veq.f32 v30, v19;
	vm1 =	vlt.u32 v34, v26;
	v24 =	vadd.f32 v24, v24  }
0xab: {  	vm2 =	vlt.f32 v30, v19;
	v31 =	vadd.f32 v40, v40;
	vm0 =	vmand vm0, vm1  }
0xac: {  	v23 =	vadd.f32 v25, v23;
	vm0 =	vmor vm2, vm0;
	v24 =	vsub.f32 v29, v24  }
0xad: {  	s20 =	sadd.s32 s12, s15;
	v29 =	vadd.f32 v37, v15;
	v19 =	vsel vm0, v30, v19;
	v26 =	vsel vm0, v34, v26  }
0xae: {  	s12 =	sand.u32 $0x70, s12;
	s20 =	sand.u32 $0x780, s20;
	v30 =	vadd.f32 v39, v39;
	vm0 =	veq.f32 v24, v19;
	vm1 =	vlt.u32 v38, v26  }
0xaf: {  	v22 =	vadd.f32 v22, v28;
	s12 =	sor.u32 s12, s20;
	vm2 =	vlt.f32 v24, v19;
	vm0 =	vmand vm0, vm1  }
0xb0: {  	v20 =	vadd.f32 v20, v25;
	v28 =	vsub.f32 v29, v30;
	vm0 =	vmor vm2, vm0  }
0xb1: {  	v25 =	vadd.s32 v17, v27;
	v19 =	vsel vm0, v24, v19;
	v24 =	vsel vm0, v38, v26  }
0xb2: {  	v23 =	vadd.f32 v23, v15;
	vm0 =	veq.f32 v28, v19;
	vm1 =	vlt.u32 v25, v24  }
0xb3: {  	v18 =	vadd.s32 v21, v18;
	vm2 =	vlt.f32 v28, v19;
	vm0 =	vmand vm0, vm1  }
0xb4: {  	v16 =	vor.u32 v16, v18;
	v21 =	vsub.f32 v23, v31;
	vm0 =	vmor vm2, vm0  }
0xb5: {  	v22 =	vadd.f32 v22, v22;
	v19 =	vsel vm0, v28, v19;
	v23 =	vsel vm0, v25, v24  }
0xb6: {  	v15 =	vadd.f32 v20, v15;
	vm0 =	veq.f32 v21, v19;
	vm1 =	vlt.u32 v16, v23  }
0xb7: {  	vm2 =	vlt.f32 v21, v19;
	vm0 =	vmand vm0, vm1  }
0xb8: {  	v15 =	vsub.f32 v15, v22;
	vm0 =	vmor vm2, vm0  }
0xb9: {  	v17 =	vadd.s32 v17, v18;
	v19 =	vsel vm0, v21, v19;
	v16 =	vsel vm0, v16, v23  }
0xba: {  	vm0 =	veq.f32 v15, v19;
	vm1 =	vlt.u32 v17, v16  }
0xbb: {  	vm2 =	vlt.f32 v15, v19;
	vm0 =	vmand vm0, vm1  }
0xbc: {  	vm0 =	vmor vm2, vm0  }
0xbd: {  	v15 =	vsel vm0, v17, v16  }
0xbe: {  	[tilespmem:s8+$0x0] =	vst v15;
	s8 =	smov.u32 s0  }
0xbf: {  	v15 =	vld [tilespmem:s12+$0x800]  }
0xc0: {  	v16 =	vld [tilespmem:s12+$0x1000];
	_ =	sdelay $0x1  }
0xc1: {  	v17 =	vld [tilespmem:s6+$0x0];
	_ =	sdelay $0x1  }
0xc2: {  	v18 =	vshrl.u32 v15, $0x10  }
0xc3: {  	v18 =	vand.u32 $0x1, v18;
	v19 =	vshrl.u32 v16, $0x10  }
0xc4: {  	v18 =	vadd.s32 v18, v15;
	v19 =	vand.u32 $0x1, v19;
	v15 =	vmul.f32 v15, v15  }
0xc5: {  	v20 =	vshrl.u32 v17, $0x10;
	v18 =	vadd.s32 $0x7FFF, v18;
	v19 =	vadd.s32 v19, v16  }
0xc6: {  	v21 =	vand.u32 $0x1, v20;
	v20 =	vand.u32 $0xFFFF0000, v18;
	v18 =	vadd.s32 $0x7FFF, v19  }
0xc7: {  	v19 =	vadd.s32 v21, v17;
	v21 =	vand.u32 $0xFFFF0000, v18;
	v18 =	vadd.f32 $1.000000000e+00, v20  }
0xc8: {  	v17 =	vmul.f32 v17, v17;
	v19 =	vadd.s32 $0x7FFF, v19;
	v22 =	vadd.f32 $1.000000000e+00, v21  }
0xc9: {  	v19 =	vand.u32 $0xFFFF0000, v19;
	v18 =	vmul.f32 $1.600000000e+01, v18  }
0xca: {  	v15 =	vadd.f32 v15, v17;
	v23 =	vadd.f32 $1.000000000e+00, v19;
	v22 =	vmul.f32 $1.600000000e+01, v22  }
0xcb: {  	v16 =	vmul.f32 v16, v16;
	v17 =	vtrunc.f32 v18  }
0xcc: {  	v17 =	vcvt.f32.s32 v17;
	v18 =	vtrunc.f32 v22  }
0xcd: {  	v22 =	vmul.f32 $1.600000000e+01, v23;
	v18 =	vcvt.f32.s32 v18  }
0xce: {  	v15 =	vadd.f32 v16, v15;
	vm0 =	vgt.s32 v17, $0x0  }
0xcf: {  	v16 =	vtrunc.f32 v22;
	v17 =	vnsel vm0, $0x0, v17;
	vm0 =	vgt.s32 v18, $0x0  }
0xd0: {  	v16 =	vcvt.f32.s32 v16;
	v17 =	vmin.u32 v17, $0x1F;
	v18 =	vnsel vm0, $0x0, v18  }
0xd1: {  	v22 =	vcvt.s32.f32 v17;
	v23 =	vadd.s32 $0x1, v17;
	v18 =	vmin.u32 v18, $0x1F  }
0xd2: {  	v23 =	vcvt.s32.f32 v23;
	v24 =	vcvt.s32.f32 v18;
	v25 =	vadd.s32 $0x1, v18  }
0xd3: {  	vm0 =	vgt.s32 v16, $0x0;
	v22 =	vmul.f32 $6.250000000e-02, v22;
	v25 =	vcvt.s32.f32 v25  }
0xd4: {  	v16 =	vnsel vm0, $0x0, v16;
	v23 =	vmul.f32 $6.250000000e-02, v23;
	v24 =	vmul.f32 $6.250000000e-02, v24  }
0xd5: {  	v26 =	vmin.u32 v16, $0x1F;
	v16 =	vadd.f32 $-1.000000000e+00, v22;
	v22 =	vmul.f32 $6.250000000e-02, v25  }
0xd6: {  	v25 =	vcvt.s32.f32 v26;
	v23 =	vadd.f32 $-1.000000000e+00, v23;
	v24 =	vadd.f32 $-1.000000000e+00, v24  }
0xd7: {  	v27 =	vadd.s32 $0x1, v26;
	vm0 =	vge.f32 v16, v20;
	v16 =	vadd.f32 $-1.000000000e+00, v22  }
0xd8: {  	v22 =	vcvt.s32.f32 v27;
	vm1 =	vlt.f32 v23, v20;
	vm2 =	vge.f32 v24, v21  }
0xd9: {  	v23 =	vsel vm0, $0xFFFFFFFF, v9;
	v24 =	vsel vm2, $0xFFFFFFFF, v9;
	vm0 =	vlt.f32 v16, v21  }
0xda: {  	v16 =	vsel vm1, $0x1, v9;
	v18 =	vadd.s32 v24, v18;
	v24 =	vsel vm0, $0x1, v9  }
0xdb: {  	v22 =	vmul.f32 $6.250000000e-02, v22;
	v17 =	vadd.s32 v23, v17;
	v18 =	vadd.s32 v24, v18  }
0xdc: {  	v23 =	vmul.f32 $6.250000000e-02, v25;
	v17 =	vadd.s32 v16, v17;
	vm0 =	vgt.s32 v18, $0x0  }
0xdd: {  	v22 =	vadd.f32 $-1.000000000e+00, v22;
	vm1 =	vgt.s32 v17, $0x0;
	v16 =	vnsel vm0, $0x0, v18  }
0xde: {  	v23 =	vadd.f32 $-1.000000000e+00, v23;
	v24 =	vnsel vm1, $0x0, v17;
	v16 =	vmin.u32 v16, $0x1F  }
0xdf: {  	vm0 =	vlt.f32 v22, v19;
	v22 =	vmin.u32 v24, $0x1F;
	v24 =	vadd.s32 $0x1, v16  }
0xe0: {  	v25 =	vadd.s32 $0x1, v22;
	v27 =	vcvt.s32.f32 v22;
	v24 =	vcvt.s32.f32 v24  }
0xe1: {  	vm1 =	vge.f32 v23, v19;
	v23 =	vsel vm0, $0x1, v9;
	v25 =	vcvt.s32.f32 v25  }
0xe2: {  	v28 =	vsel vm1, $0xFFFFFFFF, v9;
	v27 =	vadd.f32 $5.000000000e-01, v27;
	v24 =	vmul.f32 $6.250000000e-02, v24  }
0xe3: {  	v26 =	vadd.s32 v28, v26;
	v28 =	vcvt.s32.f32 v16;
	v25 =	vmul.f32 $6.250000000e-02, v25  }
0xe4: {  	v23 =	vadd.s32 v23, v26;
	v26 =	vmul.f32 $6.250000000e-02, v27;
	v24 =	vadd.f32 $-1.000000000e+00, v24  }
0xe5: {  	vm1 =	vlt.s32 v17, $0x1F;
	vm0 =	vgt.s32 v23, $0x0;
	v25 =	vadd.f32 $-1.000000000e+00, v25  }
0xe6: {  	vm2 =	vlt.s32 v18, $0x1F;
	v17 =	vnsel vm0, $0x0, v23;
	vm0 =	veq.f32 v24, v21  }
0xe7: {  	v27 =	vmin.u32 v17, $0x1F;
	vm15 =	veq.f32 v25, v20;
	vm0 =	vmand vm2, vm0  }
0xe8: {  	vm1 =	vmand vm1, vm15;
	v24 =	vcvt.s32.f32 v27;
	v17 =	vsel vm0, $0x1, v9  }
0xe9: {  	v18 =	vadd.s32 $0x1, v27;
	v25 =	vsel vm1, $0x1, v9;
	v17 =	vadd.s32 v17, v16  }
0xea: {  	v26 =	vadd.f32 $-1.000000000e+00, v26;
	v25 =	vadd.s32 v25, v22;
	v29 =	vcvt.s32.f32 v17  }
0xeb: {  	v30 =	vcvt.s32.f32 v18;
	v31 =	vcvt.s32.f32 v25;
	v18 =	vshll.u32 v25, $0x5  }
0xec: {  	vm0 =	vlt.s32 v23, $0x1F;
	v23 =	vadd.f32 $5.000000000e-01, v24;
	v24 =	vadd.f32 $5.000000000e-01, v29  }
0xed: {  	v37 =	vmul.f32 v26, v26;
	v25 =	vmul.f32 $6.250000000e-02, v30;
	v29 =	vadd.f32 $5.000000000e-01, v31  }
0xee: {  	v28 =	vadd.f32 $5.000000000e-01, v28;
	v23 =	vmul.f32 $6.250000000e-02, v23;
	v30 =	vmul.f32 $6.250000000e-02, v24  }
0xef: {  	v25 =	vadd.f32 $-1.000000000e+00, v25;
	v24 =	vmul.f32 v20, v26;
	v26 =	vmul.f32 $6.250000000e-02, v29  }
0xf0: {  	v28 =	vmul.f32 $6.250000000e-02, v28;
	v23 =	vadd.f32 $-1.000000000e+00, v23;
	v31 =	vshll.u32 v22, $0x5  }
0xf1: {  	vm1 =	veq.f32 v25, v19;
	v22 =	vadd.f32 $-1.000000000e+00, v30;
	v26 =	vadd.f32 $-1.000000000e+00, v26  }
0xf2: {  	vm0 =	vmand vm0, vm1;
	v29 =	vmul.f32 v23, v23;
	v30 =	vmul.f32 v19, v23  }
0xf3: {  	v23 =	vadd.f32 $-1.000000000e+00, v28;
	v25 =	vmul.f32 v26, v26;
	v28 =	vmul.f32 v20, v26  }
0xf4: {  	v33 =	vsel vm0, $0x1, v9;
	v32 =	vadd.f32 v37, v29;
	v20 =	vmul.f32 v22, v22  }
0xf5: {  	v33 =	vadd.s32 v33, v27;
	v26 =	vmul.f32 v21, v23;
	v29 =	vadd.f32 v25, v29  }
0xf6: {  	v35 =	vcvt.s32.f32 v33;
	v23 =	vmul.f32 v23, v23;
	v34 =	vadd.f32 v20, v32  }
0xf7: {  	v27 =	vshll.u32 v27, $0xA;
	v22 =	vmul.f32 v21, v22;
	v36 =	vadd.f32 v20, v29  }
0xf8: {  	v38 =	vadd.f32 v24, v30;
	v21 =	vshll.u32 v33, $0xA;
	v32 =	vadd.f32 v23, v32  }
0xf9: {  	v33 =	vor.u32 v27, v31;
	v35 =	vadd.f32 $5.000000000e-01, v35;
	v29 =	vadd.f32 v29, v23  }
0xfa: {  	v39 =	vor.u32 v16, v33;
	v40 =	vadd.f32 v22, v38;
	v32 =	vadd.f32 v32, v15  }
0xfb: {  	v33 =	vadd.s32 v33, v17;
	v38 =	vadd.f32 v26, v38;
	v41 =	vadd.f32 v29, v15  }
0xfc: {  	v30 =	vadd.f32 v28, v30;
	v35 =	vmul.f32 $6.250000000e-02, v35;
	v40 =	vadd.f32 v40, v40  }
0xfd: {  	v38 =	vadd.f32 v38, v38;
	v42 =	vadd.f32 v34, v15;
	v34 =	vadd.s32 v27, v18  }
0xfe: {  	v43 =	vadd.f32 v30, v26;
	v35 =	vadd.f32 $-1.000000000e+00, v35;
	v29 =	vor.u32 v16, v34  }
.Ltmp2:
0xff: {  	v27 =	vor.u32 v31, v21;
	v32 =	vsub.f32 v32, v38;
	v38 =	vsub.f32 v42, v40;
	(pc) =	sbr.rel @p1 .LBB2_2-.Ltmp2, $4  }
0x100: {  	v40 =	vadd.f32 v43, v43;
	v42 =	vadd.f32 v22, v30;
	v30 =	vmul.f32 v35, v35  }
0x101: {  	v31 =	vadd.f32 v36, v15;
	v36 =	vmul.f32 v19, v35;
	vm0 =	vlt.f32 v38, v32  }
0x102: {  	v19 =	vsel vm0, v38, v32;
	v32 =	vsel vm0, v33, v39;
	v33 =	vsub.f32 v41, v40  }
0x103: {  	v35 =	vadd.f32 v42, v42;
	v37 =	vadd.f32 v30, v37;
	vm0 =	vlt.u32 v29, v32  }
0x104: {  	v34 =	vadd.s32 v17, v34;
	v24 =	vadd.f32 v36, v24;
	v28 =	vadd.f32 v28, v36  }
0x105: {  	v38 =	vor.u32 v16, v27;
	vm1 =	veq.f32 v33, v19;
	vm2 =	vlt.f32 v33, v19  }
0x106: {  	v25 =	vadd.f32 v25, v30;
	v59 =	vadd.s32 v17, v27;
	v18 =	vadd.s32 v21, v18  }
0x107: {  	v45 =	vadd.f32 v37, v23;
	vm0 =	vmand vm1, vm0;
	v47 =	vsub.f32 v31, v35  }
0x108: {  	v39 =	vadd.f32 v22, v24;
	vm0 =	vmor vm2, vm0;
	v24 =	vadd.f32 v24, v26  }
0x109: {  	v48 =	vsel vm0, v33, v19;
	v49 =	vsel vm0, v29, v32;
	v50 =	vadd.f32 v45, v15  }
0x10a: {  	vm0 =	veq.f32 v47, v48;
	vm1 =	vlt.u32 v34, v49;
	v24 =	vadd.f32 v24, v24  }
0x10b: {  	v46 =	vadd.f32 v20, v37;
	vm2 =	vlt.f32 v47, v48;
	vm0 =	vmand vm0, vm1  }
0x10c: {  	v40 =	vadd.f32 v28, v26;
	vm0 =	vmor vm2, vm0;
	v24 =	vsub.f32 v50, v24  }
0x10d: {  	v53 =	vadd.f32 v46, v15;
	v19 =	vsel vm0, v47, v48;
	v26 =	vsel vm0, v34, v49  }
0x10e: {  	v54 =	vadd.f32 v39, v39;
	vm0 =	veq.f32 v24, v19;
	vm1 =	vlt.u32 v38, v26  }
0x10f: {  	v61 =	vor.u32 v16, v18;
	vm2 =	vlt.f32 v24, v19;
	vm0 =	vmand vm0, vm1  }
0x110: {  	v52 =	vadd.f32 v25, v23;
	v56 =	vsub.f32 v53, v54;
	vm0 =	vmor vm2, vm0  }
0x111: {  	v51 =	vadd.f32 v40, v40;
	v19 =	vsel vm0, v24, v19;
	v58 =	vsel vm0, v38, v26  }
0x112: {  	v23 =	vadd.f32 v52, v15;
	vm0 =	veq.f32 v56, v19;
	vm1 =	vlt.u32 v59, v58  }
0x113: {  	v55 =	vadd.f32 v22, v28;
	vm2 =	vlt.f32 v56, v19;
	vm0 =	vmand vm0, vm1  }
0x114: {  	v57 =	vadd.f32 v20, v25;
	v60 =	vsub.f32 v23, v51;
	vm0 =	vmor vm2, vm0  }
0x115: {  	v22 =	vadd.f32 v55, v55;
	v19 =	vsel vm0, v56, v19;
	v62 =	vsel vm0, v59, v58  }
0x116: {  	v15 =	vadd.f32 v57, v15;
	vm0 =	veq.f32 v60, v19;
	vm1 =	vlt.u32 v61, v62  }
0x117: {  	vm2 =	vlt.f32 v60, v19;
	vm0 =	vmand vm0, vm1  }
0x118: {  	v15 =	vsub.f32 v15, v22;
	vm0 =	vmor vm2, vm0  }
0x119: {  	v63 =	vadd.s32 v17, v18;
	v19 =	vsel vm0, v60, v19;
	v16 =	vsel vm0, v61, v62  }
0x11a: {  	vm0 =	veq.f32 v15, v19;
	vm1 =	vlt.u32 v63, v16  }
0x11b: {  	vm2 =	vlt.f32 v15, v19;
	vm0 =	vmand vm0, vm1  }
0x11c: {  	vm0 =	vmor vm2, vm0  }
0x11d: {  	v15 =	vsel vm0, v63, v16  }
0x11e: {  	[tilespmem:s8+$0x0] =	vst v15  }
0x11f: {  	[spmem:s7] =	stream.strided.scatter [tilespmem:s30], [sflag:$0x1], $0x100, s19, s17, $0x38;
	[tilespmem:$0xF990] =	vst v63  }
0x120: {  	_ =	swait.ge [sflag:s13], $0x100  }
0x121: {  	[sflag:s13] =	ssyncset.done $0x0  }
0x122: {  	[sflag:s13] =	ssyncadd.s32 $0xFFFFFF00  }
0x123: {  	s0 =	simm.s32 $0x1800;
	[bflag:$0x0] =	sbarrier.arrive $0xFFFF  }
0x124: {  	[tilespmem:s0], [sflag:$0x1] =	stream.strided.gather [spmem:s4], $0x800, s19, s17, $0x38;
	[tilespmem:$0xF990] =	vst v63  }
0x125: {  	s0 =	simm.s32 $0x0;
	_ =	swait.ge [sflag:s13], $0x800  }
0x126: {  	s1 =	sand.u32 $0x70, s0;
	s6 =	sand.u32 $0x3E00, s0;
	[sflag:s13] =	ssyncset.done $0x0  }
0x127: {  	s8 =	sor.u32 s1, s6;
	[sflag:s13] =	ssyncadd.s32 $0xFFFFF800  }
0x128: {  	[tilespmem:s8+$0x2180] =	vst v9  }
0x129: {  	[tilespmem:s8+$0x2000] =	vst v9  }
0x12a: {  	s12 =	simm.s32 $0x0;
	s6 =	simm.s32 $0x10;
	[tilespmem:s8+$0x2080] =	vst v9  }
.LBB2_4:
0x12b: {  	s20 =	sand.u32 $0x70, s6;
	[tilespmem:s8+$0x2100] =	vst v9;
	s12 =	sadd.s32 $0x40, s12;
	p1 =	sne.s32 s6, $0xFF0  }
.Ltmp3:
0x12c: {  	s6 =	sadd.s32 $0x10, s6;
	s8 =	sand.u32 $0x3E00, s12;
	(pc) =	sbr.rel @p1 .LBB2_4-.Ltmp3, $4  }
0x12d: {  	s8 =	sor.u32 s20, s8  }
0x12e: {  	[tilespmem:s8+$0x2180] =	vst v9  }
0x12f: {  	[tilespmem:s8+$0x2000] =	vst v9  }
0x130: {  	[tilespmem:s8+$0x2080] =	vst v9  }
0x131: {  	s6 =	sand.u32 $0x200, s0  }
0x132: {  	[tilespmem:s8+$0x2100] =	vst v9;
	s6 =	sor.u32 s1, s6  }
0x133: {  	[tilespmem:s6+$0x9980] =	vst v9  }
0x134: {  	[tilespmem:s6+$0x9800] =	vst v9  }
0x135: {  	s1 =	simm.s32 $0x10;
	[tilespmem:s6+$0x9880] =	vst v9  }
.LBB2_6:
0x136: {  	s8 =	sand.u32 $0x70, s1;
	[tilespmem:s6+$0x9900] =	vst v9;
	s0 =	sadd.s32 $0x40, s0;
	p1 =	sne.s32 s1, $0xF0  }
.Ltmp4:
0x137: {  	s1 =	sadd.s32 $0x10, s1;
	s6 =	sand.u32 $0x200, s0;
	(pc) =	sbr.rel @p1 .LBB2_6-.Ltmp4, $4  }
0x138: {  	s6 =	sor.u32 s8, s6  }
0x139: {  	[tilespmem:s6+$0x9980] =	vst v9  }
0x13a: {  	[tilespmem:s6+$0x9800] =	vst v9  }
0x13b: {  	[tilespmem:s6+$0x9880] =	vst v9  }
0x13c: {  	[tilespmem:s6+$0x9900] =	vst v9;
	s0 =	simm.s32 $0x40;
	s1 =	simm.s32 $0x0  }
.LBB2_8:
0x13d: {  	p1 =	sne.s32 s0, $0x1FC0;
	[tilespmem:s1+$0x9000] =	vst v9;
	s1 =	smov.u32 s0;
	s0 =	sadd.s32 $0x40, s0  }
.Ltmp5:
0x13e: {  	(pc) =	sbr.rel @p1 .LBB2_8-.Ltmp5, $2  }
0x13f: {  	_ =	sdelay $0x2  }
0x140: {  	s1 =	sshra.s32 s1, $0x2  }
0x141: {  	[tilespmem:s1+$0x9000] =	vst v9;
	s0 =	simm.s32 $0x0  }
0x142: {  	vm0 =	vcmask $0x300;
	v17 =	vld [tilespmem:s0+$0x1800]  }
0x143: {  	v16 =	vsel vm8, $0x0, v10;
	vm15 =	vmmov $0xf;
	v15 =	vsel vm0, $0x0, v10  }
0x144: {  	vm0 =	vcmask $0x1300;
	v19 =	vsel vm9, $0x80, v16;
	v16 =	vsel vm12, $0x0, v10  }
0x145: {  	v18 =	vsel vm0, $0x0, v10;
	vm0 =	vcmask $0x704;
	v20 =	vsel vm13, $0x80, v16  }
0x146: {  	v15 =	vsel vm0, $0x80, v15;
	vm0 =	vcmask $0xB08;
	v18 =	vsel vm5, $0x80, v18  }
0x147: {  	v16 =	vsel vm0, $0x100, v15;
	v15 =	vsel vm14, $0x100, v20;
	v20 =	vsub.s32 v17, v0  }
0x148: {  	vm0 =	vge.s32 v17, v0;
	vm1 =	vlt.s32 v17, v1;
	vm2 =	vgt.s32 v20, $0x0  }
0x149: {  	v17 =	vsel vm6, $0x100, v18;
	vm1 =	vmand vm0, vm1;
	v20 =	vnsel vm2, $0x0, v20  }
0x14a: {  	v18 =	vsel vm10, $0x100, v19;
	vm2 =	vmand vm1, vm15;
	v20 =	vmin.u32 v20, $0xFFF  }
0x14b: {  	vm0 =	vmand vm1, vm3;
	v21 =	vshrl.u32 v20, $0x4;
	v22 =	vshll.u32 v20, $0x2  }
0x14c: {  	v19 =	vand.u32 $0x7F, v20;
	v20 =	vshrl.u32 v20, $0x2;
	v22 =	vand.u32 $0x3E00, v22  }
0x14d: {  	v20 =	vand.u32 $0x200, v20;
	v22 =	vor.u32 v19, v22;
	v19 =	vand.u32 $0x7F, v21  }
0x14e: {  	s1 =	simm.s32 $0x80;
	s0 =	simm.s32 $0x40;
	v21 =	vor.u32 v16, v22;
	v20 =	vor.u32 v20, v19;
	v19 =	vor.u32 v17, v22  }
.LBB2_10:
0x14f: {  	p1 =	sne.s32 s1, $0x1FC0  }
0x150: {  	s6 =	sshra.s32 s0, $0x2;
	v23 =	vor.u32 v16, v20;
	v24 =	vor.u32 v18, v22;
	v22 =	vor.u32 v15, v22;
	s0 =	smov.u32 s1;
	s1 =	sadd.s32 $0x40, s1  }
0x151: {  	v25 =	vor.u32 v17, v20;
	vm4 =	vmand vm1, vm7;
	_ =	sdelay $0x1  }
0x152: {  	v26 =	vor.u32 v18, v20;
	vm1 =	vmand vm1, vm11  }
0x153: {  	[tilespmem:v21+s21+$0x0] =	vst.idx.add.s32.msk vm2, v11  }
0x154: {  	v20 =	vor.u32 v15, v20;
	[tilespmem:v23+s22+$0x0] =	vst.idx.add.s32.msk vm2, v11  }
0x155: {  	[tilespmem:v19+s21+$0x0] =	vst.idx.add.s32.msk vm0, v11  }
0x156: {  	[tilespmem:v25+s22+$0x0] =	vst.idx.add.s32.msk vm0, v11  }
0x157: {  	[tilespmem:v24+s21+$0x0] =	vst.idx.add.s32.msk vm4, v11  }
0x158: {  	[tilespmem:v26+s22+$0x0] =	vst.idx.add.s32.msk vm4, v11  }
0x159: {  	[tilespmem:v22+s21+$0x0] =	vst.idx.add.s32.msk vm1, v11  }
0x15a: {  	[tilespmem:v20+s22+$0x0] =	vst.idx.add.s32.msk vm1, v11  }
0x15b: {  	v19 =	vld [tilespmem:s6+$0x1800];
	_ =	sdelay $0x4  }
0x15c: {  	v20 =	vsub.s32 v19, v0;
	vm0 =	vge.s32 v19, v0;
	vm1 =	vlt.s32 v19, v1  }
0x15d: {  	vm2 =	vgt.s32 v20, $0x0;
	vm1 =	vmand vm0, vm1  }
0x15e: {  	v19 =	vnsel vm2, $0x0, v20  }
.Ltmp6:
0x15f: {  	vm2 =	vmand vm1, vm15;
	vm0 =	vmand vm1, vm3;
	v19 =	vmin.u32 v19, $0xFFF;
	(pc) =	sbr.rel @p1 .LBB2_10-.Ltmp6, $4  }
0x160: {  	v20 =	vshrl.u32 v19, $0x4;
	v21 =	vshll.u32 v19, $0x2  }
0x161: {  	v22 =	vand.u32 $0x7F, v19;
	v19 =	vshrl.u32 v19, $0x2;
	v21 =	vand.u32 $0x3E00, v21  }
0x162: {  	v20 =	vand.u32 $0x7F, v20;
	v19 =	vand.u32 $0x200, v19;
	v22 =	vor.u32 v22, v21  }
0x163: {  	v20 =	vor.u32 v19, v20;
	v21 =	vor.u32 v16, v22;
	v19 =	vor.u32 v17, v22  }
0x164: {  	_ = 	snop  }
0x165: {  	v23 =	vor.u32 v16, v20;
	_ =	sdelay $0x1  }
0x166: {  	v24 =	vor.u32 v17, v20;
	vm4 =	vmand vm1, vm7  }
0x167: {  	v25 =	vor.u32 v18, v22  }
0x168: {  	v26 =	vor.u32 v18, v20;
	vm1 =	vmand vm1, vm11;
	[tilespmem:v21+s21+$0x0] =	vst.idx.add.s32.msk vm2, v11  }
0x169: {  	v60 =	vor.u32 v15, v22;
	[tilespmem:v23+s22+$0x0] =	vst.idx.add.s32.msk vm2, v11  }
0x16a: {  	v20 =	vor.u32 v15, v20;
	[tilespmem:v19+s21+$0x0] =	vst.idx.add.s32.msk vm0, v11  }
0x16b: {  	[tilespmem:v24+s22+$0x0] =	vst.idx.add.s32.msk vm0, v11  }
0x16c: {  	[tilespmem:v25+s21+$0x0] =	vst.idx.add.s32.msk vm4, v11  }
0x16d: {  	[tilespmem:v26+s22+$0x0] =	vst.idx.add.s32.msk vm4, v11  }
0x16e: {  	[tilespmem:v60+s21+$0x0] =	vst.idx.add.s32.msk vm1, v11  }
0x16f: {  	s0 =	sshra.s32 s0, $0x2;
	[tilespmem:v20+s22+$0x0] =	vst.idx.add.s32.msk vm1, v11  }
0x170: {  	v19 =	vld [tilespmem:s0+$0x1800];
	_ =	sdelay $0x4  }
0x171: {  	v20 =	vsub.s32 v19, v0  }
0x172: {  	vm0 =	vgt.s32 v20, $0x0  }
0x173: {  	vm1 =	vge.s32 v19, v0;
	vm2 =	vlt.s32 v19, v1;
	v19 =	vnsel vm0, $0x0, v20  }
0x174: {  	vm0 =	vmand vm1, vm2;
	v19 =	vmin.u32 v19, $0xFFF  }
0x175: {  	vm1 =	vmand vm0, vm15;
	v20 =	vshrl.u32 v19, $0x4;
	v61 =	vshll.u32 v19, $0x2  }
0x176: {  	v62 =	vand.u32 $0x7F, v19;
	v19 =	vshrl.u32 v19, $0x2;
	v21 =	vand.u32 $0x3E00, v61  }
0x177: {  	v20 =	vand.u32 $0x7F, v20;
	v19 =	vand.u32 $0x200, v19;
	v21 =	vor.u32 v62, v21  }
0x178: {  	v19 =	vor.u32 v19, v20;
	v22 =	vor.u32 v16, v21  }
0x179: {  	vm2 =	vmand vm0, vm3;
	v16 =	vor.u32 v16, v19  }
0x17a: {  	v20 =	vor.u32 v17, v21  }
0x17b: {  	vm4 =	vmand vm0, vm7;
	v17 =	vor.u32 v17, v19  }
0x17c: {  	v63 =	vor.u32 v18, v21  }
0x17d: {  	vm0 =	vmand vm0, vm11;
	v18 =	vor.u32 v18, v19;
	[tilespmem:v22+s21+$0x0] =	vst.idx.add.s32.msk vm1, v11  }
0x17e: {  	v21 =	vor.u32 v15, v21;
	[tilespmem:v16+s22+$0x0] =	vst.idx.add.s32.msk vm1, v11  }
0x17f: {  	v15 =	vor.u32 v15, v19;
	[tilespmem:v20+s21+$0x0] =	vst.idx.add.s32.msk vm2, v11  }
0x180: {  	[tilespmem:v17+s22+$0x0] =	vst.idx.add.s32.msk vm2, v11  }
0x181: {  	[tilespmem:v63+s21+$0x0] =	vst.idx.add.s32.msk vm4, v11  }
0x182: {  	s0 =	simm.s32 $0x0;
	[tilespmem:v18+s22+$0x0] =	vst.idx.add.s32.msk vm4, v11  }
0x183: {  	p2 =	por $0x1, $0x1;
	s1 =	sand.u32 $0x70, s0;
	s6 =	sand.u32 $0x200, s0;
	[tilespmem:v21+s21+$0x0] =	vst.idx.add.s32.msk vm0, v11  }
.Ltmp7:
0x184: {  	s6 =	sor.u32 s1, s6;
	[tilespmem:v15+s22+$0x0] =	vst.idx.add.s32.msk vm0, v11;
	(pc) =	sbr.rel @!p2 .LBB2_12-.Ltmp7, $4  }
0x185: {  	v15 =	vld [tilespmem:s6+$0x9900]  }
0x186: {  	v16 =	vld [tilespmem:s6+$0x9880]  }
0x187: {  	v18 =	vld [tilespmem:s6+$0x9800]  }
0x188: {  	p1 =	por $0x0, $0x0;
	s1 =	simm.s32 $0x10;
	v17 =	vld [tilespmem:s6+$0x9980]  }
0x189: {  	_ =	sdelay $0x2  }
0x18a: {  	v16 =	vadd.s32 v18, v16  }
0x18b: {  	v15 =	vadd.s32 v15, v16  }
0x18c: {  	v15 =	vadd.s32 v17, v15  }
0x18d: {  	(xrf0) =	vadd.scan.msk.s32 $0xffff, v15;
	_ =	sdelay $0x1  }
0x18e: {  	v16 =	vmov s0  }
0x18f: {  	v16 =	vshll.u32 v16, $0x4  }
0x190: {  	v16 =	vor.u32 v13, v16  }
0x191: {  	v17 =	vor.u32 $0x1, v16  }
0x192: {  	v18 =	vor.u32 $0x2, v16;
	v19, _, _ =	vpop (xrf0)  }
0x193: {  	v20 =	vor.u32 $0x3, v16;
	v19 =	vadd.s32 s0, v19  }
0x194: {  	v21 =	vor.u32 $0x4, v16;
	v15 =	vsub.s32 v19, v15  }
0x195: {  	v22 =	vor.u32 $0x5, v16;
	[tilespmem:v16+s23+$0x0] =	vst.idx.msk $0xffff, v15  }
0x196: {  	[tilespmem:v17+s23+$0x0] =	vst.idx.msk $0xffff, v15;
	v17 =	vor.u32 $0x6, v16  }
0x197: {  	[tilespmem:v18+s23+$0x0] =	vst.idx.msk $0xffff, v15;
	v18 =	vor.u32 $0x7, v16  }
0x198: {  	[tilespmem:v20+s23+$0x0] =	vst.idx.msk $0xffff, v15;
	v20 =	vor.u32 $0x8, v16  }
0x199: {  	v61 =	vor.u32 $0x9, v16;
	v19 =	vxor.u32 $0x80000000, v19;
	[tilespmem:v21+s23+$0x0] =	vst.idx.msk $0xffff, v15  }
0x19a: {  	v62 =	vor.u32 $0xA, v16;
	(xrf0) =	vmax.scan.msk.u32 $0xffff, v19;
	[tilespmem:v22+s23+$0x0] =	vst.idx.msk $0xffff, v15  }
0x19b: {  	[tilespmem:v17+s23+$0x0] =	vst.idx.msk $0xffff, v15;
	v17 =	vor.u32 $0xB, v16  }
0x19c: {  	[tilespmem:v18+s23+$0x0] =	vst.idx.msk $0xffff, v15  }
0x19d: {  	[tilespmem:v20+s23+$0x0] =	vst.idx.msk $0xffff, v15  }
0x19e: {  	[tilespmem:v61+s23+$0x0] =	vst.idx.msk $0xffff, v15  }
0x19f: {  	[tilespmem:v62+s23+$0x0] =	vst.idx.msk $0xffff, v15  }
0x1a0: {  	[tilespmem:v17+s23+$0x0] =	vst.idx.msk $0xffff, v15;
	v17, _, _ =	vpop (xrf0)  }
0x1a1: {  	v18 =	vor.u32 $0xC, v16;
	(v2sf) =	vpush v17, $0xF  }
0x1a2: {  	v20 =	vor.u32 $0xD, v16  }
0x1a3: {  	v63 =	vor.u32 $0xE, v16  }
0x1a4: {  	v16 =	vor.u32 $0xF, v16;
	_ =	sdelay $0x1  }
0x1a5: {  	[tilespmem:v18+s23+$0x0] =	vst.idx.msk $0xffff, v15  }
0x1a6: {  	s8 =	simm.s32 $0x40;
	[tilespmem:v20+s23+$0x0] =	vst.idx.msk $0xffff, v15  }
0x1a7: {  	s6 =	sand.u32 $0x70, s1;
	p3 =	por $0x1, $0x1;
	s12 =	sand.u32 $0x200, s8;
	[tilespmem:v63+s23+$0x0] =	vst.idx.msk $0xffff, v15  }
.Ltmp8:
0x1a8: {  	s6 =	sor.u32 s6, s12;
	[tilespmem:v16+s23+$0x0] =	vst.idx.msk $0xffff, v15;
	(pc) =	sbr.rel @!p3 .LBB2_14-.Ltmp8, $4  }
0x1a9: {  	v15 =	vld [tilespmem:s6+$0x9900]  }
0x1aa: {  	v16 =	vld [tilespmem:s6+$0x9880]  }
0x1ab: {  	v18 =	vld [tilespmem:s6+$0x9800]  }
0x1ac: {  	p2 =	por $0x1, $0x1;
	s12 =	simm.s32 $0x20;
	v17 =	vld [tilespmem:s6+$0x9980];
	s6 =	simm.s32 $0x10  }
.LBB2_15:
0x1ad: {  	_ = 	snop  }
0x1ae: {  	p3 =	sne.s32 s12, $0xF0;
	s20 =	smov.u32 s12;
	s12 =	sadd.s32 $0x10, s12  }
0x1af: {  	s24 =	spop (v2sf)  }
0x1b0: {  	v16 =	vadd.s32 v18, v16;
	s24 =	sxor.u32 $0x80000000, s24  }
0x1b1: {  	v15 =	vadd.s32 v15, v16  }
0x1b2: {  	v15 =	vadd.s32 v17, v15  }
0x1b3: {  	(xrf0) =	vadd.scan.msk.s32 $0xffff, v15;
	_ =	sdelay $0x1  }
0x1b4: {  	v16 =	vmov s6;
	s6 =	smov.u32 s20  }
0x1b5: {  	v16 =	vshll.u32 v16, $0x4  }
0x1b6: {  	v16 =	vor.u32 v13, v16  }
0x1b7: {  	v17 =	vor.u32 $0x1, v16  }
0x1b8: {  	v18 =	vor.u32 $0x2, v16;
	v19, _, _ =	vpop (xrf0)  }
0x1b9: {  	v20 =	vor.u32 $0x3, v16;
	v19 =	vadd.s32 s24, v19  }
0x1ba: {  	v21 =	vor.u32 $0x4, v16;
	v15 =	vsub.s32 v19, v15;
	v19 =	vxor.u32 $0x80000000, v19  }
0x1bb: {  	v22 =	vor.u32 $0x5, v16;
	[tilespmem:v16+s23+$0x0] =	vst.idx.msk $0xffff, v15;
	(xrf0) =	vmax.scan.msk.u32 $0xffff, v19  }
0x1bc: {  	[tilespmem:v17+s23+$0x0] =	vst.idx.msk $0xffff, v15;
	v17 =	vor.u32 $0x6, v16  }
0x1bd: {  	[tilespmem:v18+s23+$0x0] =	vst.idx.msk $0xffff, v15;
	v18 =	vor.u32 $0x7, v16  }
0x1be: {  	v19 =	vor.u32 $0x8, v16;
	[tilespmem:v20+s23+$0x0] =	vst.idx.msk $0xffff, v15  }
0x1bf: {  	v20 =	vor.u32 $0x9, v16;
	[tilespmem:v21+s23+$0x0] =	vst.idx.msk $0xffff, v15  }
0x1c0: {  	v21 =	vor.u32 $0xA, v16;
	[tilespmem:v22+s23+$0x0] =	vst.idx.msk $0xffff, v15  }
0x1c1: {  	[tilespmem:v17+s23+$0x0] =	vst.idx.msk $0xffff, v15;
	v17 =	vor.u32 $0xB, v16;
	v22, _, _ =	vpop (xrf0)  }
0x1c2: {  	[tilespmem:v18+s23+$0x0] =	vst.idx.msk $0xffff, v15;
	v18 =	vor.u32 $0xC, v16;
	(v2sf) =	vpush v22, $0xF  }
0x1c3: {  	[tilespmem:v19+s23+$0x0] =	vst.idx.msk $0xffff, v15;
	v19 =	vor.u32 $0xD, v16  }
0x1c4: {  	[tilespmem:v20+s23+$0x0] =	vst.idx.msk $0xffff, v15;
	v20 =	vor.u32 $0xE, v16  }
0x1c5: {  	v16 =	vor.u32 $0xF, v16;
	[tilespmem:v21+s23+$0x0] =	vst.idx.msk $0xffff, v15  }
0x1c6: {  	[tilespmem:v17+s23+$0x0] =	vst.idx.msk $0xffff, v15  }
0x1c7: {  	[tilespmem:v18+s23+$0x0] =	vst.idx.msk $0xffff, v15  }
0x1c8: {  	s8 =	sadd.s32 $0x40, s8;
	[tilespmem:v19+s23+$0x0] =	vst.idx.msk $0xffff, v15  }
0x1c9: {  	s20 =	sand.u32 $0x70, s6;
	s24 =	sand.u32 $0x200, s8;
	[tilespmem:v20+s23+$0x0] =	vst.idx.msk $0xffff, v15  }
.Ltmp9:
0x1ca: {  	s20 =	sor.u32 s20, s24;
	[tilespmem:v16+s23+$0x0] =	vst.idx.msk $0xffff, v15;
	(pc) =	sbr.rel @p3 .LBB2_15-.Ltmp9, $4  }
0x1cb: {  	v15 =	vld [tilespmem:s20+$0x9900]  }
0x1cc: {  	v16 =	vld [tilespmem:s20+$0x9880]  }
0x1cd: {  	v18 =	vld [tilespmem:s20+$0x9800]  }
0x1ce: {  	v17 =	vld [tilespmem:s20+$0x9980]  }
.LBB2_16:
0x1cf: {  	_ =	sdelay $0x2  }
0x1d0: {  	v16 =	vadd.s32 v18, v16  }
0x1d1: {  	v15 =	vadd.s32 v15, v16  }
0x1d2: {  	v15 =	vadd.s32 v17, v15  }
0x1d3: {  	(xrf0) =	vadd.scan.msk.s32 $0xffff, v15;
	_ =	sdelay $0x3  }
0x1d4: {  	s8 =	spop @p2 (v2sf)  }
0x1d5: {  	s12 =	simm.s32 $0x0;
	s8 =	sxor.u32 @p2 $0x80000000, s8  }
0x1d6: {  	s12 =	smov.u32 @p2 s8;
	v16, _, _ =	vpop (xrf0)  }
0x1d7: {  	v16 =	vadd.s32 s12, v16  }
0x1d8: {  	v17 =	vxor.u32 $0x80000000, v16  }
0x1d9: {  	(xrf0) =	vmax.scan.msk.u32 $0xffff, v17  }
0x1da: {  	v17 =	vmov s6  }
0x1db: {  	v17 =	vshll.u32 v17, $0x4  }
0x1dc: {  	v17 =	vor.u32 v13, v17  }
0x1dd: {  	v55 =	vor.u32 $0x1, v17  }
0x1de: {  	v19 =	vor.u32 $0x2, v17  }
0x1df: {  	v20 =	vor.u32 $0x3, v17;
	v21, _, _ =	vpop (xrf0)  }
0x1e0: {  	v15 =	vsub.s32 v16, v15;
	v16 =	vor.u32 $0x4, v17;
	(v2sf) =	vpush v21, $0xF  }
0x1e1: {  	v56 =	vor.u32 $0x5, v17;
	[tilespmem:v17+s23+$0x0] =	vst.idx.msk $0xffff, v15  }
0x1e2: {  	v57 =	vor.u32 $0x6, v17;
	[tilespmem:v55+s23+$0x0] =	vst.idx.msk $0xffff, v15  }
0x1e3: {  	v58 =	vor.u32 $0x7, v17;
	[tilespmem:v19+s23+$0x0] =	vst.idx.msk $0xffff, v15  }
0x1e4: {  	v59 =	vor.u32 $0x8, v17;
	[tilespmem:v20+s23+$0x0] =	vst.idx.msk $0xffff, v15  }
0x1e5: {  	[tilespmem:v16+s23+$0x0] =	vst.idx.msk $0xffff, v15;
	v16 =	vor.u32 $0x9, v17  }
0x1e6: {  	v60 =	vor.u32 $0xA, v17;
	[tilespmem:v56+s23+$0x0] =	vst.idx.msk $0xffff, v15  }
0x1e7: {  	v61 =	vor.u32 $0xB, v17;
	[tilespmem:v57+s23+$0x0] =	vst.idx.msk $0xffff, v15  }
0x1e8: {  	v62 =	vor.u32 $0xC, v17;
	[tilespmem:v58+s23+$0x0] =	vst.idx.msk $0xffff, v15  }
0x1e9: {  	v63 =	vor.u32 $0xD, v17;
	[tilespmem:v59+s23+$0x0] =	vst.idx.msk $0xffff, v15  }
0x1ea: {  	[tilespmem:v16+s23+$0x0] =	vst.idx.msk $0xffff, v15;
	v16 =	vor.u32 $0xE, v17  }
0x1eb: {  	p2 =	por $0x1, $0x1;
	v17 =	vor.u32 $0xF, v17;
	[tilespmem:v60+s23+$0x0] =	vst.idx.msk $0xffff, v15  }
.Ltmp10:
0x1ec: {  	[tilespmem:v61+s23+$0x0] =	vst.idx.msk $0xffff, v15;
	(pc) =	sbr.rel @!p2 .LBB2_21-.Ltmp10, $4  }
0x1ed: {  	[tilespmem:v62+s23+$0x0] =	vst.idx.msk $0xffff, v15  }
0x1ee: {  	[tilespmem:v63+s23+$0x0] =	vst.idx.msk $0xffff, v15  }
0x1ef: {  	[tilespmem:v16+s23+$0x0] =	vst.idx.msk $0xffff, v15;
	s25 =	spop (v2sf)  }
0x1f0: {  	s20 =	simm.s32 $0x0;
	s8 =	simm.s32 $0x0;
	[tilespmem:v17+s23+$0x0] =	vst.idx.msk $0xffff, v15;
	s6 =	sxor.u32 $0x80000000, s25  }
0x1f1: {  	s8 =	sand.u32 $0x70, s0;
	s12 =	sand.u32 $0x3E00, s0  }
0x1f2: {  	s8 =	sor.u32 s8, s12  }
0x1f3: {  	v15 =	vld [tilespmem:s8+$0x2080]  }
0x1f4: {  	v16 =	vld [tilespmem:s8+$0x2000]  }
0x1f5: {  	v17 =	vld [tilespmem:s8+$0x2100]  }
0x1f6: {  	v18 =	vld [tilespmem:s8+$0x2180];
	_ =	sdelay $0x2  }
0x1f7: {  	p2 =	por $0x1, $0x1;
	v15 =	vadd.s32 v16, v15  }
.Ltmp11:
0x1f8: {  	v15 =	vadd.s32 v17, v15;
	(pc) =	sbr.rel @!p2 .LBB2_18-.Ltmp11, $4  }
0x1f9: {  	v15 =	vadd.s32 v18, v15  }
0x1fa: {  	s12 =	simm.s32 $0x0;
	vm0 =	vgt.s32 v15, $0x0;
	(xrf0) =	vadd.scan.msk.s32 $0xffff, v15  }
0x1fb: {  	[tilespmem:s12+$0x6000] =	vst v15;
	v16 =	vsel vm0, $0x3F4CCCCD, v14  }
0x1fc: {  	s20 =	simm.s32 $0x20;
	p1 =	por $0x1, $0x1;
	s8 =	simm.s32 $0x0;
	[tilespmem:s12+$0x8000] =	vst v16  }
.LBB2_19:
0x1fd: {  	p2 =	sne.s32 s20, $0xFF0;
	_ =	sdelay $0x2  }
0x1fe: {  	s8 =	sadd.s32 $0x40, s8;
	v16, _, _ =	vpop (xrf0)  }
0x1ff: {  	s24 =	sand.u32 $0x70, s1;
	s1 =	smov.u32 s20;
	s25 =	sand.u32 $0x3E00, s8;
	v15 =	vsub.s32 v16, v15  }
0x200: {  	s24 =	sor.u32 s24, s25;
	[tilespmem:s12+$0x7000] =	vst v15  }
0x201: {  	v15 =	vld [tilespmem:s24+$0x2080]  }
0x202: {  	v16 =	vld [tilespmem:s24+$0x2000]  }
0x203: {  	v17 =	vld [tilespmem:s24+$0x2100]  }
0x204: {  	v18 =	vld [tilespmem:s24+$0x2180];
	_ =	sdelay $0x2  }
0x205: {  	v15 =	vadd.s32 v16, v15  }
.Ltmp12:
0x206: {  	v15 =	vadd.s32 v17, v15;
	(pc) =	sbr.rel @p2 .LBB2_19-.Ltmp12, $4  }
0x207: {  	s12 =	sshra.s32 s8, $0x2;
	v15 =	vadd.s32 v18, v15  }
0x208: {  	[tilespmem:s12+$0x6000] =	vst v15;
	vm0 =	vgt.s32 v15, $0x0;
	(xrf0) =	vadd.scan.msk.s32 $0xffff, v15  }
0x209: {  	v16 =	vsel vm0, $0x3F4CCCCD, v14  }
0x20a: {  	s20 =	sadd.s32 $0x10, s20;
	[tilespmem:s12+$0x8000] =	vst v16  }
0x20b: {  	s20 =	smov.u32 s1  }
.LBB2_21:
0x20c: {  	_ = 	snop  }
0x20d: {  	s1 =	sadd.s32 @p1 $0x40, s8  }
0x20e: {  	s0 =	smov.u32 @p1 s1;
	v16, _, _ =	vpop @p1 (xrf0)  }
0x20f: {  	s24 =	sand.u32 $0x70, s20;
	s25 =	sand.u32 $0x3E00, s0;
	v15 =	vsub.s32 @p1 v16, v15  }
0x210: {  	s1 =	sor.u32 s24, s25;
	[tilespmem:s12+$0x7000] =	vst @p1 v15  }
0x211: {  	v15 =	vld [tilespmem:s1+$0x2080]  }
0x212: {  	v16 =	vld [tilespmem:s1+$0x2000]  }
0x213: {  	v17 =	vld [tilespmem:s1+$0x2100]  }
0x214: {  	v18 =	vld [tilespmem:s1+$0x2180];
	_ =	sdelay $0x2  }
0x215: {  	v15 =	vadd.s32 v16, v15  }
0x216: {  	v15 =	vadd.s32 v17, v15  }
0x217: {  	v15 =	vadd.s32 v18, v15  }
0x218: {  	(xrf0) =	vadd.scan.msk.s32 $0xffff, v15;
	_ =	sdelay $0x4  }
0x219: {  	s0 =	sshra.s32 s0, $0x2;
	vm0 =	vgt.s32 v15, $0x0  }
0x21a: {  	[tilespmem:s0+$0x6000] =	vst v15;
	v16 =	vsel vm0, $0x3F4CCCCD, v14;
	v17, _, _ =	vpop (xrf0)  }
0x21b: {  	[tilespmem:s0+$0x8000] =	vst v16;
	v15 =	vsub.s32 v17, v15  }
0x21c: {  	s20 =	simm.s32 $0x8000;
	[tilespmem:s0+$0x7000] =	vst v15  }
0x21d: {  	[hbm4b:s10+s17] =	stream.strided.scatter [tilespmem:s20], [sflag:$0x1], $0x1000, s18, s17, $0x38;
	[tilespmem:$0xF990] =	vst v63  }
0x21e: {  	_ =	swait.ge [sflag:s13], $0x1000  }
0x21f: {  	[sflag:s13] =	ssyncset.done $0x0  }
0x220: {  	v15 =	vmov s6;
	[sflag:s13] =	ssyncadd.s32 $0xFFFFF000  }
0x221: {  	s24 =	simm.s32 $0xAC00;
	[tilespmem:$0xAC00] =	vst v15  }
0x222: {  	[spmem:s11] =	stream.linear.scatter [tilespmem:s24], [sflag:$0x1], $0x80, $0x38;
	[tilespmem:$0xF990] =	vst v63  }
0x223: {  	_ =	swait.ge [sflag:s13], $0x80  }
0x224: {  	[sflag:s13] =	ssyncset.done $0x0  }
0x225: {  	[sflag:s13] =	ssyncadd.s32 $0xFFFFFF80  }
0x226: {  	[bflag:$0x0] =	sbarrier.arrive $0xFFFF  }
0x227: {  	[tilespmem:s26], [sflag:$0x1] =	stream.linear.gather [spmem:s9], $0x400, $0x38;
	[tilespmem:$0xF990] =	vst v63  }
0x228: {  	_ =	swait.ge [sflag:s13], $0x400  }
0x229: {  	[sflag:s13] =	ssyncset.done $0x0  }
0x22a: {  	[sflag:s13] =	ssyncadd.s32 $0xFFFFFC00  }
0x22b: {  	v15 =	vld [tilespmem:$0xAC80]  }
0x22c: {  	v16 =	vld [tilespmem:$0xAD00]  }
0x22d: {  	v17 =	vld [tilespmem:$0xAD80]  }
0x22e: {  	v60 =	vld [tilespmem:$0xAE00]  }
0x22f: {  	v19 =	vld [tilespmem:$0xAE80]  }
0x230: {  	v20 =	vld [tilespmem:$0xAF00]  }
0x231: {  	v21 =	vld [tilespmem:$0xAF80];
	v15 =	vmul.u32 v2, v15;
	v16 =	vmul.u32 v3, v16  }
0x232: {  	v17 =	vmul.u32 v4, v17  }
0x233: {  	s25 =	simm.s32 $0x0;
	v18 =	vmul.u32 v5, v60;
	v15 =	vadd.s32 v15, v16  }
0x234: {  	v16 =	vmul.u32 v6, v19;
	v15 =	vadd.s32 v17, v15;
	v17 =	vld [tilespmem:s25+$0x7000]  }
0x235: {  	v62 =	vld [tilespmem:s25+$0x9C00];
	v61 =	vmul.u32 v7, v20;
	v15 =	vadd.s32 v18, v15  }
0x236: {  	v63 =	vmul.u32 v8, v21;
	v15 =	vadd.s32 v16, v15  }
0x237: {  	v16 =	vld [tilespmem:s25+$0x6000];
	v15 =	vadd.s32 v61, v15  }
0x238: {  	v15 =	vadd.s32 v63, v15  }
0x239: {  	v17 =	vadd.s32 v17, v15  }
0x23a: {  	v17 =	vadd.s32 v62, v17  }
0x23b: {  	vm0 =	vgt.s32 v17, $0x0  }
0x23c: {  	vm1 =	vgt.s32 v16, $0x0;
	v16 =	vnsel vm0, $0x0, v17  }
0x23d: {  	v16 =	vmin.u32 v16, $0x7FF;
	_ =	sdelay $0x3  }
0x23e: {  	v17 =	vor.u32 s3, v12  }
0x23f: {  	s1 =	simm.s32 $0x80;
	s6 =	simm.s32 $0x10;
	s0 =	smov.u32 s3;
	[tilespmem:v16+s28+$0x0] =	vst.idx.msk vm1, v17  }
.LBB2_22:
0x240: {  	p1 =	sne.s32 s1, $0x3FC0;
	v16 =	vld [tilespmem:s6+$0x7000]  }
0x241: {  	v17 =	vld [tilespmem:s6+$0x9C00];
	_ =	sdelay $0x1  }
0x242: {  	v18 =	vld [tilespmem:s6+$0x6000];
	_ =	sdelay $0x1  }
0x243: {  	v16 =	vadd.s32 v16, v15  }
0x244: {  	v16 =	vadd.s32 v17, v16  }
0x245: {  	vm0 =	vgt.s32 v16, $0x0  }
0x246: {  	vm1 =	vgt.s32 v18, $0x0;
	v16 =	vnsel vm0, $0x0, v16  }
0x247: {  	v16 =	vmin.u32 v16, $0x7FF  }
.Ltmp13:
0x248: {  	(pc) =	sbr.rel @p1 .LBB2_22-.Ltmp13, $4  }
0x249: {  	_ = 	snop  }
0x24a: {  	s0 =	sadd.s32 $0x10, s0  }
0x24b: {  	v17 =	vor.u32 s0, v12  }
0x24c: {  	s6 =	sshra.s32 s1, $0x2;
	s1 =	sadd.s32 $0x40, s1;
	[tilespmem:v16+s28+$0x0] =	vst.idx.msk vm1, v17  }
0x24d: {  	v16 =	vld [tilespmem:s6+$0x7000]  }
0x24e: {  	v17 =	vld [tilespmem:s6+$0x9C00];
	_ =	sdelay $0x1  }
0x24f: {  	v18 =	vld [tilespmem:s6+$0x6000];
	_ =	sdelay $0x1  }
0x250: {  	v15 =	vadd.s32 v16, v15  }
0x251: {  	v15 =	vadd.s32 v17, v15  }
0x252: {  	vm0 =	vgt.s32 v15, $0x0  }
0x253: {  	vm1 =	vgt.s32 v18, $0x0;
	v15 =	vnsel vm0, $0x0, v15  }
0x254: {  	v15 =	vmin.u32 v15, $0x7FF;
	_ =	sdelay $0x2  }
0x255: {  	s0 =	sadd.s32 $0x10, s0  }
0x256: {  	v63 =	vor.u32 s0, v12  }
0x257: {  	[tilespmem:v15+s28+$0x0] =	vst.idx.msk vm1, v63  }
0x258: {  	[spmem:s14] =	stream.strided.scatter [tilespmem:s28], [sflag:$0x1], $0x800, s29, s17, $0x38;
	[tilespmem:$0xF990] =	vst v63  }
.Ltmp14:
0x259: {  	_ =	swait.ge [sflag:s13], $0x800;
	(pc) =	sbr.rel @p0 .LBB2_27-.Ltmp14, $3  }
0x25a: {  	[sflag:s13] =	ssyncset.done $0x0  }
0x25b: {  	[sflag:s13] =	ssyncadd.s32 $0xFFFFF800  }
0x25c: {  	[bflag:$0x0] =	sbarrier.arrive $0xFFFF;
	_ =	sdelay $0x1  }
0x25d: {  	s0 =	rddreg [dreg:$0x7];
	s1 =	simm.s32 $0xB080  }
0x25e: {  	[tilespmem:s1], [sflag:$0x1] =	stream.linear.gather [spmem:s0], $0x4000, $0x38;
	[tilespmem:$0xF990] =	vst v63  }
0x25f: {  	s6 =	simm.s32 $0x0;
	_ =	swait.ge [sflag:s13], $0x4000  }
0x260: {  	s24 =	sand.u32 $0x70, s6;
	s25 =	sand.u32 $0x3C00, s6;
	[sflag:s13] =	ssyncset.done $0x0  }
0x261: {  	s0 =	sor.u32 s24, s25;
	[sflag:s13] =	ssyncadd.s32 $0xFFFFC000  }
0x262: {  	v15 =	vld [tilespmem:s0+$0xB100]  }
0x263: {  	v16 =	vld [tilespmem:s0+$0xB080];
	_ =	sdelay $0x1  }
0x264: {  	v17 =	vld [tilespmem:s0+$0xB180];
	_ =	sdelay $0x1  }
0x265: {  	v18 =	vld [tilespmem:s0+$0xB200]  }
0x266: {  	vm0 =	vgt.s32 v16, v15  }
0x267: {  	v15 =	vsel vm0, v16, v15;
	v16 =	vld [tilespmem:s0+$0xB280]  }
0x268: {  	vm0 =	vgt.s32 v15, v17  }
0x269: {  	v15 =	vsel vm0, v15, v17;
	v17 =	vld [tilespmem:s0+$0xB300]  }
0x26a: {  	vm0 =	vgt.s32 v15, v18  }
0x26b: {  	v15 =	vsel vm0, v15, v18;
	v18 =	vld [tilespmem:s0+$0xB380]  }
0x26c: {  	vm0 =	vgt.s32 v15, v16  }
0x26d: {  	v15 =	vsel vm0, v15, v16;
	v16 =	vld [tilespmem:s0+$0xB400]  }
0x26e: {  	vm0 =	vgt.s32 v15, v17  }
0x26f: {  	v15 =	vsel vm0, v15, v17  }
0x270: {  	vm0 =	vgt.s32 v15, v18  }
0x271: {  	v15 =	vsel vm0, v15, v18  }
0x272: {  	vm0 =	vgt.s32 v15, v16  }
0x273: {  	v15 =	vsel vm0, v15, v16  }
0x274: {  	v15 =	vxor.u32 $0x80000000, v15  }
0x275: {  	(xrf0) =	vmax.scan.msk.u32 $0xffff, v15;
	_ =	sdelay $0x5  }
0x276: {  	v15, _, _ =	vpop (xrf0)  }
0x277: {  	v15 =	vxor.u32 $0x80000000, v15  }
0x278: {  	s8 =	simm.s32 $0x10;
	s1 =	simm.s32 $0x80;
	vm0 =	vgt.s32 v15, s6  }
0x279: {  	s8 =	sand.u32 $0x70, s8;
	s12 =	sand.u32 $0x3C00, s1;
	s0 =	simm.s32 $0x9000;
	v15 =	vnsel vm0, s6, v15  }
0x27a: {  	s12 =	sor.u32 s8, s12;
	[tilespmem:s0+$0x0] =	vst v15;
	v15 =	vxor.u32 $0x80000000, v15  }
0x27b: {  	v17 =	vld [tilespmem:s12+$0xB100];
	(xrf0) =	vmax.scan.msk.u32 $0xffff, v15  }
0x27c: {  	v18 =	vld [tilespmem:s12+$0xB080];
	_ =	sdelay $0x1  }
0x27d: {  	v16 =	vld [tilespmem:s12+$0xB180];
	_ =	sdelay $0x1  }
0x27e: {  	v15 =	vld [tilespmem:s12+$0xB200]  }
0x27f: {  	vm0 =	vgt.s32 v18, v17;
	v19, _, _ =	vpop (xrf0)  }
0x280: {  	s8 =	simm.s32 $0x30;
	s6 =	simm.s32 $0x20;
	v18 =	vsel vm0, v18, v17;
	v17 =	vld [tilespmem:s12+$0xB280];
	(v2sf) =	vpush v19, $0xF  }
.LBB2_25:
0x281: {  	p1 =	sne.s32 s8, $0x7F0;
	vm0 =	vgt.s32 v18, v16  }
0x282: {  	v16 =	vsel vm0, v18, v16;
	v18 =	vld [tilespmem:s12+$0xB300]  }
0x283: {  	vm0 =	vgt.s32 v16, v15  }
0x284: {  	v15 =	vsel vm0, v16, v15;
	v16 =	vld [tilespmem:s12+$0xB380]  }
0x285: {  	vm0 =	vgt.s32 v15, v17  }
0x286: {  	v15 =	vsel vm0, v15, v17;
	v17 =	vld [tilespmem:s12+$0xB400]  }
0x287: {  	vm0 =	vgt.s32 v15, v18  }
0x288: {  	v15 =	vsel vm0, v15, v18  }
0x289: {  	vm0 =	vgt.s32 v15, v16  }
0x28a: {  	v15 =	vsel vm0, v15, v16  }
0x28b: {  	vm0 =	vgt.s32 v15, v17  }
0x28c: {  	v15 =	vsel vm0, v15, v17  }
0x28d: {  	v15 =	vxor.u32 $0x80000000, v15  }
0x28e: {  	(xrf0) =	vmax.scan.msk.u32 $0xffff, v15  }
0x28f: {  	s12 =	spop (v2sf)  }
0x290: {  	s12 =	sxor.u32 $0x80000000, s12;
	_ =	sdelay $0x3  }
0x291: {  	v15, _, _ =	vpop (xrf0)  }
0x292: {  	v15 =	vxor.u32 $0x80000000, v15  }
0x293: {  	s1 =	sadd.s32 $0x80, s1;
	vm0 =	vgt.s32 v15, s12  }
0x294: {  	s6 =	sand.u32 $0x70, s6;
	s0 =	sadd.s32 $0x10, s0;
	s20 =	sand.u32 $0x3C00, s1;
	v15 =	vnsel vm0, s12, v15  }
0x295: {  	s12 =	sor.u32 s6, s20;
	s6 =	smov.u32 s8;
	[tilespmem:s0+$0x0] =	vst v15;
	v15 =	vxor.u32 $0x80000000, v15  }
0x296: {  	v17 =	vld [tilespmem:s12+$0xB100];
	(xrf0) =	vmax.scan.msk.u32 $0xffff, v15  }
0x297: {  	v18 =	vld [tilespmem:s12+$0xB080];
	_ =	sdelay $0x1  }
.Ltmp15:
0x298: {  	v16 =	vld [tilespmem:s12+$0xB180];
	(pc) =	sbr.rel @p1 .LBB2_25-.Ltmp15, $4  }
0x299: {  	_ = 	snop  }
0x29a: {  	v15 =	vld [tilespmem:s12+$0xB200]  }
0x29b: {  	vm0 =	vgt.s32 v18, v17;
	v19, _, _ =	vpop (xrf0)  }
0x29c: {  	s8 =	sadd.s32 $0x10, s8;
	v18 =	vsel vm0, v18, v17;
	v17 =	vld [tilespmem:s12+$0xB280];
	(v2sf) =	vpush v19, $0xF  }
.Ltmp16:
0x29d: {  	_ = 	snop;
	(pc) =	sbr.rel .LBB2_26-.Ltmp16, $1  }
0x29e: {  	_ =	sdelay $0x3  }
.LBB2_12:
.Ltmp17:
0x29f: {  	(pc) =	sbr.rel .LBB2_16-.Ltmp17, $2  }
0x2a0: {  	_ =	sdelay $0x2  }
0x2a1: {  	s6 =	simm.s32 $0x0;
	p2 =	por $0x0, $0x0  }
.LBB2_14:
.Ltmp18:
0x2a2: {  	(pc) =	sbr.rel .LBB2_16-.Ltmp18, $2  }
0x2a3: {  	_ =	sdelay $0x2  }
0x2a4: {  	s6 =	simm.s32 $0x10  }
.LBB2_18:
.Ltmp19:
0x2a5: {  	(pc) =	sbr.rel .LBB2_21-.Ltmp19, $2  }
0x2a6: {  	_ =	sdelay $0x2  }
0x2a7: {  	s8 =	simm.s32 $0x0;
	s20 =	simm.s32 $0x10  }
.LBB2_28:
0x2a8: {  	_ =	sfence.sel $0x180000  }
0x2a9: {  	[bflag:$0x0] =	sbarrier.arrive $0xFFFF  }
0x2aa: {  	_ =	strace $0x90000047  }
0x2ab: {  	s0 =	stileid.u32;
	[bflag:$0x2] =	sbarrier.arrive $0xFFFF  }
0x2ac: {  	p0 =	sne.s32 s0, $0x0;
	s0 =	rddreg [dreg:$0x6]  }
0x2ad: {  	s0 =	sadd.s32 @!p0 $0x100000, s0  }
0x2ae: {  	[sflag:s0] =	ssyncadd.tile.s32 @!p0 $0x1;
	_ =	shalt  }
.Lfunc_end2:
_tile_overlayer_lowered:
.L_overlay_start_2:
0x2af: {  	(tag) =	ssettag $0x2  }
0x2b0: {  	s0 =	rddreg [dreg:$0x0];
	s2 =	stileid.u32  }
0x2b1: {  	s1 =	rddreg [dreg:$0x1];
	p0 =	sne.s32 s2, $0x0  }
0x2b2: {  	s3 =	rddreg [dreg:$0x2];
	[bflag:$0x3] =	sbarrier.arrive $0xFFFF;
	s2 =	simm.s32 @!p0 $0x1C01  }
0x2b3: {  	[timem:s3], [sflag:s2] =	dma.local @!p0 [hbm:s0], s1  }
0x2b4: {  	s0 =	simm.s32 @!p0 $0x1  }
0x2b5: {  	_ =	swait.ge @!p0 [sflag:s0], s1  }
0x2b6: {  	s1 =	ssub.s32 @!p0 $0x0, s1;
	[sflag:s0] =	ssyncset.done @!p0 $0x0  }
0x2b7: {  	[sflag:s0] =	ssyncadd.s32 @!p0 s1  }
0x2b8: {  	[bflag:$0x3] =	sbarrier.arrive $0xFFFF  }
0x2b9: {  	_ =	shalt  }

</sc_bundles>
